<compile_context>
chip_gen: v7x
topology: tpu7x:2x2x1
jax: 0.10.2.dev20260603
libtpu: 0.0.44.dev20260713+nightly
codegen_flags: <defaults>
</compile_context>

<pallas_src>
import functools

import jax
import jax.numpy as jnp
from jax import lax
from jax.experimental import pallas as pl
from jax.experimental.pallas import tpu as pltpu
from jax.experimental.pallas import tpu_sc as plsc

NC = 2
NS = 16
B = 128


def _make_agg(n, e, c, r):
    assert e % B == 0 and c % 16 == 0
    n_tiles = NC * NS
    n_pad = ((n + NS * B - 1) // (NS * B)) * (NS * B)
    rpt = n_pad // NS
    chunks = e // B
    full_trips = chunks // n_tiles
    extra = chunks % n_tiles

    mesh = plsc.VectorSubcoreMesh(core_axis_name="c", subcore_axis_name="s",
                                  num_cores=NC, num_subcores=NS)

    @functools.partial(
        pl.kernel,
        mesh=mesh,
        out_type=jax.ShapeDtypeStruct((NC, n_pad, c), jnp.float32),
        scratch_types=[
            pltpu.VMEM_SHARED((n_pad, c), jnp.float32),
            pltpu.VMEM((B,), jnp.int32),
            pltpu.VMEM((B,), jnp.int32),
            pltpu.VMEM((B,), jnp.int32),
            pltpu.VMEM((B, c), jnp.float32),
            pltpu.VMEM((B, c), jnp.float32),
            pltpu.SemaphoreType.DMA,
            pltpu.SemaphoreType.DMA,
        ],
    )
    def agg(res_hbm, head_hbm, tail_hbm, etype_hbm, w_hbm, sum_out,
            accum, tail_v, head_v, etype_v, rows_v, wrows_v, sem_r, sem_w):
        cid = lax.axis_index("c")
        sid = lax.axis_index("s")
        wid = sid * NC + cid
        base = sid * rpt

        zero16 = jnp.zeros((16,), jnp.float32)

        @pl.loop(0, B)
        def _(i):
            for k in range(c // 16):
                rows_v[i, pl.ds(k * 16, 16)] = zero16

        for q in range(rpt // B):
            pltpu.sync_copy(rows_v, accum.at[pl.ds(base + q * B, B)])
        plsc.subcore_barrier()

        ntrips = jnp.where(wid < extra, full_trips + 1, full_trips)

        @pl.loop(0, ntrips)
        def _(t):
            ebase = (wid + t * n_tiles) * B
            pltpu.sync_copy(tail_hbm.at[pl.ds(ebase, B)], tail_v)
            pltpu.sync_copy(etype_hbm.at[pl.ds(ebase, B)], etype_v)
            pltpu.sync_copy(head_hbm.at[pl.ds(ebase, B)], head_v)
            cp_r = pltpu.async_copy(res_hbm.at[tail_v], rows_v, sem_r)
            cp_w = pltpu.async_copy(w_hbm.at[etype_v], wrows_v, sem_w)
            cp_r.wait()
            cp_w.wait()

            @pl.loop(0, B)
            def _(ei):
                for k in range(c // 16):
                    sl = pl.ds(k * 16, 16)
                    rows_v[ei, sl] = rows_v[ei, sl] * wrows_v[ei, sl]

            pltpu.sync_copy(rows_v, accum.at[head_v], add=True)

        plsc.subcore_barrier()
        pltpu.sync_copy(accum.at[pl.ds(base, rpt)],
                        sum_out.at[cid, pl.ds(base, rpt)])

    return agg, n_pad


def _dense_body(ps_ref, res_ref, w1_ref, b1_ref, w2a_ref, w2b_ref,
                b2_ref, out_ref):
    s = ps_ref[0] + ps_ref[1]
    nrm = jnp.sqrt(jnp.sum(s * s, axis=1, keepdims=True))
    emb = s / jnp.maximum(nrm, 1e-12)
    res = res_ref[...]
    dot = functools.partial(jnp.dot, preferred_element_type=jnp.float32,
                            precision=lax.Precision.HIGHEST)
    x1 = dot(res + emb, w1_ref[...]) + b1_ref[...]
    x2 = dot(res, w2a_ref[...]) + dot(emb, w2b_ref[...]) + b2_ref[...]
    r1 = jnp.where(x1 >= 0, x1, 0.01 * x1)
    r2 = jnp.where(x2 >= 0, x2, 0.01 * x2)
    out_ref[...] = r1 + r2


def _dense_call(psum, res, w1, b1, w2a, w2b, b2, bm=512):
    n, c = res.shape
    n_pad = psum.shape[1]
    grid = (max(n, n_pad) + bm - 1) // bm
    full = lambda shape: pl.BlockSpec(shape, lambda i: (0,) * len(shape))
    return pl.pallas_call(
        _dense_body,
        grid=(grid,),
        in_specs=[
            pl.BlockSpec((NC, bm, c), lambda i: (0, i, 0)),
            pl.BlockSpec((bm, c), lambda i: (i, 0)),
            full((c, c)),
            full((1, c)),
            full((c, c)),
            full((c, c)),
            full((1, c)),
        ],
        out_specs=pl.BlockSpec((bm, c), lambda i: (i, 0)),
        out_shape=jax.ShapeDtypeStruct((n, c), jnp.float32),
    )(psum, res, w1, b1, w2a, w2b, b2)


def kernel(entity_emb, edge_index, edge_type, weight, W1_w, W1_b, W2_w, W2_b):
    n, c = entity_emb.shape
    e = edge_index.shape[1]
    r = weight.shape[0]
    n_hops = W1_w.shape[0]
    head = edge_index[0]
    tail = edge_index[1]
    etype = edge_type.astype(jnp.int32)

    agg, n_pad = _make_agg(n, e, c, r)

    res = entity_emb
    for i in range(n_hops):
        psum = agg(res, head, tail, etype, weight)
        res = _dense_call(psum, res,
                          W1_w[i], W1_b[i].reshape(1, c),
                          W2_w[i, :c], W2_w[i, c:], W2_b[i].reshape(1, c))
    return res, weight

# --- scband reference (transcript-rebuilt; emitter-appended) ---
"""Pipeline reference for scband-graph-conv-38543036514383 (READ-ONLY COPY).

The authoritative reference and input builder live on the scoring server;
editing this copy changes nothing except your own understanding.
"""

import jax, jax.numpy as jnp
import numpy as np

N_ENTITIES = 10000
N_EDGES = 320000
CHANNEL = 128
N_RELATIONS = 16
N_HOPS = 2


def setup_inputs(seed: int = 0) -> dict:
    key = jax.random.key(seed)
    ks = jax.random.split(key, 9)
    entity_emb = jax.random.normal(ks[0], (N_ENTITIES, CHANNEL), dtype=jnp.float32)
    edge_index = jax.random.randint(ks[1], (2, N_EDGES), 0, N_ENTITIES)
    edge_type = jax.random.randint(ks[2], (N_EDGES,), 0, N_RELATIONS)
    # learned params
    lim_w = float(np.sqrt(6.0 / (N_RELATIONS + CHANNEL)))
    weight = jax.random.uniform(ks[3], (N_RELATIONS, CHANNEL), minval=-lim_w, maxval=lim_w, dtype=jnp.float32)
    lim1 = float(np.sqrt(1.0 / CHANNEL))
    lim2 = float(np.sqrt(1.0 / (2 * CHANNEL)))
    W1_w = jax.random.uniform(ks[4], (N_HOPS, CHANNEL, CHANNEL), minval=-lim1, maxval=lim1, dtype=jnp.float32)
    W1_b = jax.random.uniform(ks[5], (N_HOPS, CHANNEL), minval=-lim1, maxval=lim1, dtype=jnp.float32)
    W2_w = jax.random.uniform(ks[6], (N_HOPS, 2 * CHANNEL, CHANNEL), minval=-lim2, maxval=lim2, dtype=jnp.float32)
    W2_b = jax.random.uniform(ks[7], (N_HOPS, CHANNEL), minval=-lim2, maxval=lim2, dtype=jnp.float32)
    return {"entity_emb": entity_emb, "edge_index": edge_index, "edge_type": edge_type,
            "weight": weight, "W1_w": W1_w, "W1_b": W1_b, "W2_w": W2_w, "W2_b": W2_b}


def _scatter_mean(src, index, dim_size):
    s = jax.ops.segment_sum(src, index, num_segments=dim_size)
    cnt = jax.ops.segment_sum(jnp.ones((src.shape[0], 1), dtype=src.dtype), index, num_segments=dim_size)
    return s / jnp.maximum(cnt, 1.0)


def reference(entity_emb, edge_index, edge_type, weight, W1_w, W1_b, W2_w, W2_b):
    n_entities = entity_emb.shape[0]
    head = edge_index[0]
    tail = edge_index[1]
    res = entity_emb
    for i in range(N_HOPS):
        # Aggregator: relation-aware neighbor aggregation
        edge_relation_emb = weight[edge_type]                 # gather [E, C]
        neigh = res[tail] * edge_relation_emb                 # gather [E, C]
        emb = _scatter_mean(neigh, head, n_entities)          # scatter-mean [N, C]
        # mess_dropout_rate = 0.0 -> dropout is identity
        # F.normalize (L2, dim=1, eps=1e-12)
        norm = jnp.sqrt(jnp.sum(emb * emb, axis=1, keepdims=True))
        emb = emb / jnp.maximum(norm, 1e-12)
        r1 = jax.nn.leaky_relu(jnp.dot(res + emb, W1_w[i]) + W1_b[i], negative_slope=0.01)
        r2 = jax.nn.leaky_relu(jnp.dot(jnp.concatenate([res, emb], axis=1), W2_w[i]) + W2_b[i], negative_slope=0.01)
        res = r1 + r2  # agg_type = 'mixed'
    return res, weight

if __name__ == "__main__":
    import jax
    _d = setup_inputs()
    print(jax.jit(kernel)(*tuple(_d.values())))

</pallas_src>

<mosaic_0001>
#map = affine_map<(d0, d1) -> (0, 0)>
#map1 = affine_map<(d0, d1) -> (0)>
#map2 = affine_map<(d0, d1) -> (0, 0, 0)>
module attributes {stable_mosaic.version = 14 : i64} {
  func.func @agg(%arg0: i32, %arg1: i32, %arg2: memref<10000x128xf32, #tpu.memory_space<hbm>>, %arg3: memref<320000xi32, #tpu.memory_space<hbm>>, %arg4: memref<320000xi32, #tpu.memory_space<hbm>>, %arg5: memref<320000xi32, #tpu.memory_space<hbm>>, %arg6: memref<16x128xf32, #tpu.memory_space<hbm>>, %arg7: memref<2x10240x128xf32, #tpu.memory_space<hbm>>, %arg8: memref<10240x128xf32, #tpu.memory_space<vmem_shared>>, %arg9: memref<128xi32, #tpu.memory_space<vmem>>, %arg10: memref<128xi32, #tpu.memory_space<vmem>>, %arg11: memref<128xi32, #tpu.memory_space<vmem>>, %arg12: memref<128x128xf32, #tpu.memory_space<vmem>>, %arg13: memref<128x128xf32, #tpu.memory_space<vmem>>, %arg14: memref<!tpu.dma_semaphore, #tpu.memory_space<semaphore_mem>>, %arg15: memref<!tpu.dma_semaphore, #tpu.memory_space<semaphore_mem>>) attributes {dimension_semantics = [#tpu.dimension_semantics<core_parallel>, #tpu.dimension_semantics<subcore_parallel>], iteration_bounds = array<i64: 2, 16>, scalar_prefetch = 0 : i64, scratch_operands = 8 : i64, tpu.core_type = #tpu.core_type<sc_vector_subcore>, window_params = [{transform_indices = #map}, {transform_indices = #map1}, {transform_indices = #map1}, {transform_indices = #map1}, {transform_indices = #map}, {transform_indices = #map2}]} {
    %mul3A = arith.constant 2 : i32
    %mul3A_0 = arith.muli %arg1, %mul3A : i32
    %add3A = arith.addi %mul3A_0, %arg0 : i32
    %mul3A_1 = arith.constant 640 : i32
    %mul3A_2 = arith.muli %arg1, %mul3A_1 : i32
    %broadcast_in_dim3A = arith.constant 0.000000e+00 : f32
    %broadcast_in_dim3A_3 = vector.broadcast %broadcast_in_dim3A : f32 to vector<16xf32>
    %scan3A = arith.constant 0 : i32
    %scan3A_4 = arith.constant 128 : i32
    %scan3A_5 = arith.addi %scan3A, %scan3A_4 : i32
    %scan3A_6 = arith.constant 1 : i32
    scf.for %scan3A_37 = %scan3A to %scan3A_5 step %scan3A_6  : i32 {
      %mul3A_38 = arith.constant 1 : i32
      %mul3A_39 = arith.muli %scan3A_37, %mul3A_38 : i32
      %add3A_40 = arith.constant 0 : i32
      %add3A_41 = arith.addi %add3A_40, %mul3A_39 : i32
      %swap3A = arith.index_cast %add3A_41 : i32 to index
      %swap3A_42 = arith.constant 0 : index
      %swap3A_43 = tpu.vector_load %arg12[%swap3A, %swap3A_42] {strides = array<i32>} : memref<128x128xf32, #tpu.memory_space<vmem>>, vector<1x16xf32>,
      %swap3A_44 = vector.shape_cast %swap3A_43 : vector<1x16xf32> to vector<16xf32>
      %swap3A_45 = vector.shape_cast %broadcast_in_dim3A_3 : vector<16xf32> to vector<1x16xf32>
      tpu.vector_store %arg12[%swap3A, %swap3A_42], %swap3A_45 {strides = array<i32>} : memref<128x128xf32, #tpu.memory_space<vmem>>, vector<1x16xf32>,
      %swap3A_46 = arith.index_cast %add3A_41 : i32 to index
      %swap3A_47 = arith.constant 16 : index
      %swap3A_48 = tpu.vector_load %arg12[%swap3A_46, %swap3A_47] {strides = array<i32>} : memref<128x128xf32, #tpu.memory_space<vmem>>, vector<1x16xf32>,
      %swap3A_49 = vector.shape_cast %swap3A_48 : vector<1x16xf32> to vector<16xf32>
      %swap3A_50 = vector.shape_cast %broadcast_in_dim3A_3 : vector<16xf32> to vector<1x16xf32>
      tpu.vector_store %arg12[%swap3A_46, %swap3A_47], %swap3A_50 {strides = array<i32>} : memref<128x128xf32, #tpu.memory_space<vmem>>, vector<1x16xf32>,
      %swap3A_51 = arith.index_cast %add3A_41 : i32 to index
      %swap3A_52 = arith.constant 32 : index
      %swap3A_53 = tpu.vector_load %arg12[%swap3A_51, %swap3A_52] {strides = array<i32>} : memref<128x128xf32, #tpu.memory_space<vmem>>, vector<1x16xf32>,
      %swap3A_54 = vector.shape_cast %swap3A_53 : vector<1x16xf32> to vector<16xf32>
      %swap3A_55 = vector.shape_cast %broadcast_in_dim3A_3 : vector<16xf32> to vector<1x16xf32>
      tpu.vector_store %arg12[%swap3A_51, %swap3A_52], %swap3A_55 {strides = array<i32>} : memref<128x128xf32, #tpu.memory_space<vmem>>, vector<1x16xf32>,
      %swap3A_56 = arith.index_cast %add3A_41 : i32 to index
      %swap3A_57 = arith.constant 48 : index
      %swap3A_58 = tpu.vector_load %arg12[%swap3A_56, %swap3A_57] {strides = array<i32>} : memref<128x128xf32, #tpu.memory_space<vmem>>, vector<1x16xf32>,
      %swap3A_59 = vector.shape_cast %swap3A_58 : vector<1x16xf32> to vector<16xf32>
      %swap3A_60 = vector.shape_cast %broadcast_in_dim3A_3 : vector<16xf32> to vector<1x16xf32>
      tpu.vector_store %arg12[%swap3A_56, %swap3A_57], %swap3A_60 {strides = array<i32>} : memref<128x128xf32, #tpu.memory_space<vmem>>, vector<1x16xf32>,
      %swap3A_61 = arith.index_cast %add3A_41 : i32 to index
      %swap3A_62 = arith.constant 64 : index
      %swap3A_63 = tpu.vector_load %arg12[%swap3A_61, %swap3A_62] {strides = array<i32>} : memref<128x128xf32, #tpu.memory_space<vmem>>, vector<1x16xf32>,
      %swap3A_64 = vector.shape_cast %swap3A_63 : vector<1x16xf32> to vector<16xf32>
      %swap3A_65 = vector.shape_cast %broadcast_in_dim3A_3 : vector<16xf32> to vector<1x16xf32>
      tpu.vector_store %arg12[%swap3A_61, %swap3A_62], %swap3A_65 {strides = array<i32>} : memref<128x128xf32, #tpu.memory_space<vmem>>, vector<1x16xf32>,
      %swap3A_66 = arith.index_cast %add3A_41 : i32 to index
      %swap3A_67 = arith.constant 80 : index
      %swap3A_68 = tpu.vector_load %arg12[%swap3A_66, %swap3A_67] {strides = array<i32>} : memref<128x128xf32, #tpu.memory_space<vmem>>, vector<1x16xf32>,
      %swap3A_69 = vector.shape_cast %swap3A_68 : vector<1x16xf32> to vector<16xf32>
      %swap3A_70 = vector.shape_cast %broadcast_in_dim3A_3 : vector<16xf32> to vector<1x16xf32>
      tpu.vector_store %arg12[%swap3A_66, %swap3A_67], %swap3A_70 {strides = array<i32>} : memref<128x128xf32, #tpu.memory_space<vmem>>, vector<1x16xf32>,
      %swap3A_71 = arith.index_cast %add3A_41 : i32 to index
      %swap3A_72 = arith.constant 96 : index
      %swap3A_73 = tpu.vector_load %arg12[%swap3A_71, %swap3A_72] {strides = array<i32>} : memref<128x128xf32, #tpu.memory_space<vmem>>, vector<1x16xf32>,
      %swap3A_74 = vector.shape_cast %swap3A_73 : vector<1x16xf32> to vector<16xf32>
      %swap3A_75 = vector.shape_cast %broadcast_in_dim3A_3 : vector<16xf32> to vector<1x16xf32>
      tpu.vector_store %arg12[%swap3A_71, %swap3A_72], %swap3A_75 {strides = array<i32>} : memref<128x128xf32, #tpu.memory_space<vmem>>, vector<1x16xf32>,
      %swap3A_76 = arith.index_cast %add3A_41 : i32 to index
      %swap3A_77 = arith.constant 112 : index
      %swap3A_78 = tpu.vector_load %arg12[%swap3A_76, %swap3A_77] {strides = array<i32>} : memref<128x128xf32, #tpu.memory_space<vmem>>, vector<1x16xf32>,
      %swap3A_79 = vector.shape_cast %swap3A_78 : vector<1x16xf32> to vector<16xf32>
      %swap3A_80 = vector.shape_cast %broadcast_in_dim3A_3 : vector<16xf32> to vector<1x16xf32>
      tpu.vector_store %arg12[%swap3A_76, %swap3A_77], %swap3A_80 {strides = array<i32>} : memref<128x128xf32, #tpu.memory_space<vmem>>, vector<1x16xf32>,
    }
    %scan3A_7 = arith.constant 128 : i32
    %add3A_8 = arith.constant 0 : i32
    %add3A_9 = arith.addi %mul3A_2, %add3A_8 : i32
    "tpu.region"() ({
      %run_scoped3A = tpu.sem_alloc : memref<!tpu.dma_semaphore, #tpu.memory_space<semaphore_mem>>
      %dma_start3A = arith.constant 0 : i32
      %dma_start3A_37 = tpu.memref_slice %arg8[%add3A_9, %dma_start3A] : memref<10240x128xf32, #tpu.memory_space<vmem_shared>> -> memref<128x128xf32, #tpu.memory_space<vmem_shared>>
      %dma_start3A_38 = arith.constant 0 : i32
      %dma_start3A_39 = tpu.memref_slice %arg8[%add3A_9, %dma_start3A_38] : memref<10240x128xf32, #tpu.memory_space<vmem_shared>> -> memref<128x128xf32, #tpu.memory_space<vmem_shared>>
      tpu.enqueue_dma source(%arg12 : memref<128x128xf32, #tpu.memory_space<vmem>>) target(%dma_start3A_39 : memref<128x128xf32, #tpu.memory_space<vmem_shared>>) target_semaphore(%run_scoped3A : memref<!tpu.dma_semaphore, #tpu.memory_space<semaphore_mem>>)
      %dma_wait3A = arith.constant 0 : i32
      %dma_wait3A_40 = tpu.memref_slice %arg8[%add3A_9, %dma_wait3A] : memref<10240x128xf32, #tpu.memory_space<vmem_shared>> -> memref<128x128xf32, #tpu.memory_space<vmem_shared>>
      %dma_wait3A_41 = arith.constant 0 : i32
      %dma_wait3A_42 = tpu.memref_slice %arg8[%add3A_9, %dma_wait3A_41] : memref<10240x128xf32, #tpu.memory_space<vmem_shared>> -> memref<128x128xf32, #tpu.memory_space<vmem_shared>>
      tpu.wait_dma2 semaphore(%run_scoped3A : memref<!tpu.dma_semaphore, #tpu.memory_space<semaphore_mem>>) src(%arg12 : memref<128x128xf32, #tpu.memory_space<vmem>>) dst(%dma_wait3A_42 : memref<128x128xf32, #tpu.memory_space<vmem_shared>>)
      tpu.yield
    }) : () -> ()
    %add3A_10 = arith.constant 128 : i32
    %add3A_11 = arith.addi %mul3A_2, %add3A_10 : i32
    "tpu.region"() ({
      %run_scoped3A = tpu.sem_alloc : memref<!tpu.dma_semaphore, #tpu.memory_space<semaphore_mem>>
      %dma_start3A = arith.constant 0 : i32
      %dma_start3A_37 = tpu.memref_slice %arg8[%add3A_11, %dma_start3A] : memref<10240x128xf32, #tpu.memory_space<vmem_shared>> -> memref<128x128xf32, #tpu.memory_space<vmem_shared>>
      %dma_start3A_38 = arith.constant 0 : i32
      %dma_start3A_39 = tpu.memref_slice %arg8[%add3A_11, %dma_start3A_38] : memref<10240x128xf32, #tpu.memory_space<vmem_shared>> -> memref<128x128xf32, #tpu.memory_space<vmem_shared>>
      tpu.enqueue_dma source(%arg12 : memref<128x128xf32, #tpu.memory_space<vmem>>) target(%dma_start3A_39 : memref<128x128xf32, #tpu.memory_space<vmem_shared>>) target_semaphore(%run_scoped3A : memref<!tpu.dma_semaphore, #tpu.memory_space<semaphore_mem>>)
      %dma_wait3A = arith.constant 0 : i32
      %dma_wait3A_40 = tpu.memref_slice %arg8[%add3A_11, %dma_wait3A] : memref<10240x128xf32, #tpu.memory_space<vmem_shared>> -> memref<128x128xf32, #tpu.memory_space<vmem_shared>>
      %dma_wait3A_41 = arith.constant 0 : i32
      %dma_wait3A_42 = tpu.memref_slice %arg8[%add3A_11, %dma_wait3A_41] : memref<10240x128xf32, #tpu.memory_space<vmem_shared>> -> memref<128x128xf32, #tpu.memory_space<vmem_shared>>
      tpu.wait_dma2 semaphore(%run_scoped3A : memref<!tpu.dma_semaphore, #tpu.memory_space<semaphore_mem>>) src(%arg12 : memref<128x128xf32, #tpu.memory_space<vmem>>) dst(%dma_wait3A_42 : memref<128x128xf32, #tpu.memory_space<vmem_shared>>)
      tpu.yield
    }) : () -> ()
    %add3A_12 = arith.constant 256 : i32
    %add3A_13 = arith.addi %mul3A_2, %add3A_12 : i32
    "tpu.region"() ({
      %run_scoped3A = tpu.sem_alloc : memref<!tpu.dma_semaphore, #tpu.memory_space<semaphore_mem>>
      %dma_start3A = arith.constant 0 : i32
      %dma_start3A_37 = tpu.memref_slice %arg8[%add3A_13, %dma_start3A] : memref<10240x128xf32, #tpu.memory_space<vmem_shared>> -> memref<128x128xf32, #tpu.memory_space<vmem_shared>>
      %dma_start3A_38 = arith.constant 0 : i32
      %dma_start3A_39 = tpu.memref_slice %arg8[%add3A_13, %dma_start3A_38] : memref<10240x128xf32, #tpu.memory_space<vmem_shared>> -> memref<128x128xf32, #tpu.memory_space<vmem_shared>>
      tpu.enqueue_dma source(%arg12 : memref<128x128xf32, #tpu.memory_space<vmem>>) target(%dma_start3A_39 : memref<128x128xf32, #tpu.memory_space<vmem_shared>>) target_semaphore(%run_scoped3A : memref<!tpu.dma_semaphore, #tpu.memory_space<semaphore_mem>>)
      %dma_wait3A = arith.constant 0 : i32
      %dma_wait3A_40 = tpu.memref_slice %arg8[%add3A_13, %dma_wait3A] : memref<10240x128xf32, #tpu.memory_space<vmem_shared>> -> memref<128x128xf32, #tpu.memory_space<vmem_shared>>
      %dma_wait3A_41 = arith.constant 0 : i32
      %dma_wait3A_42 = tpu.memref_slice %arg8[%add3A_13, %dma_wait3A_41] : memref<10240x128xf32, #tpu.memory_space<vmem_shared>> -> memref<128x128xf32, #tpu.memory_space<vmem_shared>>
      tpu.wait_dma2 semaphore(%run_scoped3A : memref<!tpu.dma_semaphore, #tpu.memory_space<semaphore_mem>>) src(%arg12 : memref<128x128xf32, #tpu.memory_space<vmem>>) dst(%dma_wait3A_42 : memref<128x128xf32, #tpu.memory_space<vmem_shared>>)
      tpu.yield
    }) : () -> ()
    %add3A_14 = arith.constant 384 : i32
    %add3A_15 = arith.addi %mul3A_2, %add3A_14 : i32
    "tpu.region"() ({
      %run_scoped3A = tpu.sem_alloc : memref<!tpu.dma_semaphore, #tpu.memory_space<semaphore_mem>>
      %dma_start3A = arith.constant 0 : i32
      %dma_start3A_37 = tpu.memref_slice %arg8[%add3A_15, %dma_start3A] : memref<10240x128xf32, #tpu.memory_space<vmem_shared>> -> memref<128x128xf32, #tpu.memory_space<vmem_shared>>
      %dma_start3A_38 = arith.constant 0 : i32
      %dma_start3A_39 = tpu.memref_slice %arg8[%add3A_15, %dma_start3A_38] : memref<10240x128xf32, #tpu.memory_space<vmem_shared>> -> memref<128x128xf32, #tpu.memory_space<vmem_shared>>
      tpu.enqueue_dma source(%arg12 : memref<128x128xf32, #tpu.memory_space<vmem>>) target(%dma_start3A_39 : memref<128x128xf32, #tpu.memory_space<vmem_shared>>) target_semaphore(%run_scoped3A : memref<!tpu.dma_semaphore, #tpu.memory_space<semaphore_mem>>)
      %dma_wait3A = arith.constant 0 : i32
      %dma_wait3A_40 = tpu.memref_slice %arg8[%add3A_15, %dma_wait3A] : memref<10240x128xf32, #tpu.memory_space<vmem_shared>> -> memref<128x128xf32, #tpu.memory_space<vmem_shared>>
      %dma_wait3A_41 = arith.constant 0 : i32
      %dma_wait3A_42 = tpu.memref_slice %arg8[%add3A_15, %dma_wait3A_41] : memref<10240x128xf32, #tpu.memory_space<vmem_shared>> -> memref<128x128xf32, #tpu.memory_space<vmem_shared>>
      tpu.wait_dma2 semaphore(%run_scoped3A : memref<!tpu.dma_semaphore, #tpu.memory_space<semaphore_mem>>) src(%arg12 : memref<128x128xf32, #tpu.memory_space<vmem>>) dst(%dma_wait3A_42 : memref<128x128xf32, #tpu.memory_space<vmem_shared>>)
      tpu.yield
    }) : () -> ()
    %add3A_16 = arith.constant 512 : i32
    %add3A_17 = arith.addi %mul3A_2, %add3A_16 : i32
    "tpu.region"() ({
      %run_scoped3A = tpu.sem_alloc : memref<!tpu.dma_semaphore, #tpu.memory_space<semaphore_mem>>
      %dma_start3A = arith.constant 0 : i32
      %dma_start3A_37 = tpu.memref_slice %arg8[%add3A_17, %dma_start3A] : memref<10240x128xf32, #tpu.memory_space<vmem_shared>> -> memref<128x128xf32, #tpu.memory_space<vmem_shared>>
      %dma_start3A_38 = arith.constant 0 : i32
      %dma_start3A_39 = tpu.memref_slice %arg8[%add3A_17, %dma_start3A_38] : memref<10240x128xf32, #tpu.memory_space<vmem_shared>> -> memref<128x128xf32, #tpu.memory_space<vmem_shared>>
      tpu.enqueue_dma source(%arg12 : memref<128x128xf32, #tpu.memory_space<vmem>>) target(%dma_start3A_39 : memref<128x128xf32, #tpu.memory_space<vmem_shared>>) target_semaphore(%run_scoped3A : memref<!tpu.dma_semaphore, #tpu.memory_space<semaphore_mem>>)
      %dma_wait3A = arith.constant 0 : i32
      %dma_wait3A_40 = tpu.memref_slice %arg8[%add3A_17, %dma_wait3A] : memref<10240x128xf32, #tpu.memory_space<vmem_shared>> -> memref<128x128xf32, #tpu.memory_space<vmem_shared>>
      %dma_wait3A_41 = arith.constant 0 : i32
      %dma_wait3A_42 = tpu.memref_slice %arg8[%add3A_17, %dma_wait3A_41] : memref<10240x128xf32, #tpu.memory_space<vmem_shared>> -> memref<128x128xf32, #tpu.memory_space<vmem_shared>>
      tpu.wait_dma2 semaphore(%run_scoped3A : memref<!tpu.dma_semaphore, #tpu.memory_space<semaphore_mem>>) src(%arg12 : memref<128x128xf32, #tpu.memory_space<vmem>>) dst(%dma_wait3A_42 : memref<128x128xf32, #tpu.memory_space<vmem_shared>>)
      tpu.yield
    }) : () -> ()
    %barrier3A = arith.constant 0 : index
    tpu.barrier barrier_id(%barrier3A)
    %lt3A = arith.constant 4 : i32
    %lt3A_18 = arith.cmpi slt, %add3A, %lt3A : i32
    %jit3A = arith.constant 79 : i32
    %jit3A_19 = arith.constant 78 : i32
    %select_n3A = arith.select %lt3A_18, %jit3A, %jit3A_19 : i32
    %sub3A = arith.constant 0 : i32
    %sub3A_20 = arith.subi %select_n3A, %sub3A : i32
    %sub3A_21 = arith.constant 1 : i32
    %sub3A_22 = arith.constant 1 : i32
    %sub3A_23 = arith.subi %sub3A_21, %sub3A_22 : i32
    %add3A_24 = arith.addi %sub3A_20, %sub3A_23 : i32
    %div3A = arith.constant 1 : i32
    %div3A_25 = arith.divsi %add3A_24, %div3A : i32
    %while3A = arith.constant 1 : i32
    %while3A_26 = arith.constant 0 : i32
    %while3A_27 = arith.constant 0 : i32
    %while3A_28 = arith.subi %div3A_25, %while3A_27 : i32
    %while3A_29 = arith.addi %while3A_27, %while3A_28 : i32
    %while3A_30 = arith.constant 1 : i32
    %while3A_31 = arith.divsi %while3A_28, %while3A_30 : i32
    %while3A_32 = arith.muli %while3A_31, %while3A_30 : i32
    %while3A_33 = arith.addi %while3A_27, %while3A_32 : i32
    %while3A_34 = arith.constant 1 : i32
    scf.for %while3A_37 = %while3A_27 to %while3A_33 step %while3A_34  : i32 {
      %mul3A_38 = arith.muli %while3A_37, %while3A : i32
      %add3A_39 = arith.addi %while3A_26, %mul3A_38 : i32
      %mul3A_40 = arith.constant 32 : i32
      %mul3A_41 = arith.muli %add3A_39, %mul3A_40 : i32
      %add3A_42 = arith.addi %add3A, %mul3A_41 : i32
      %mul3A_43 = arith.constant 128 : i32
      %mul3A_44 = arith.muli %add3A_42, %mul3A_43 : i32
      "tpu.region"() ({
        %run_scoped3A = tpu.sem_alloc : memref<!tpu.dma_semaphore, #tpu.memory_space<semaphore_mem>>
        %dma_start3A_60 = tpu.memref_slice %arg4[%mul3A_44] : memref<320000xi32, #tpu.memory_space<hbm>> -> memref<128xi32, #tpu.memory_space<hbm>>
        %dma_start3A_61 = tpu.memref_slice %arg4[%mul3A_44] : memref<320000xi32, #tpu.memory_space<hbm>> -> memref<128xi32, #tpu.memory_space<hbm>>
        tpu.enqueue_dma source(%dma_start3A_61 : memref<128xi32, #tpu.memory_space<hbm>>) target(%arg9 : memref<128xi32, #tpu.memory_space<vmem>>) target_semaphore(%run_scoped3A : memref<!tpu.dma_semaphore, #tpu.memory_space<semaphore_mem>>)
        %dma_wait3A_62 = tpu.memref_slice %arg4[%mul3A_44] : memref<320000xi32, #tpu.memory_space<hbm>> -> memref<128xi32, #tpu.memory_space<hbm>>
        %dma_wait3A_63 = tpu.memref_slice %arg4[%mul3A_44] : memref<320000xi32, #tpu.memory_space<hbm>> -> memref<128xi32, #tpu.memory_space<hbm>>
        tpu.wait_dma2 semaphore(%run_scoped3A : memref<!tpu.dma_semaphore, #tpu.memory_space<semaphore_mem>>) src(%dma_wait3A_63 : memref<128xi32, #tpu.memory_space<hbm>>) dst(%arg9 : memref<128xi32, #tpu.memory_space<vmem>>)
        tpu.yield
      }) : () -> ()
      "tpu.region"() ({
        %run_scoped3A = tpu.sem_alloc : memref<!tpu.dma_semaphore, #tpu.memory_space<semaphore_mem>>
        %dma_start3A_60 = tpu.memref_slice %arg5[%mul3A_44] : memref<320000xi32, #tpu.memory_space<hbm>> -> memref<128xi32, #tpu.memory_space<hbm>>
        %dma_start3A_61 = tpu.memref_slice %arg5[%mul3A_44] : memref<320000xi32, #tpu.memory_space<hbm>> -> memref<128xi32, #tpu.memory_space<hbm>>
        tpu.enqueue_dma source(%dma_start3A_61 : memref<128xi32, #tpu.memory_space<hbm>>) target(%arg11 : memref<128xi32, #tpu.memory_space<vmem>>) target_semaphore(%run_scoped3A : memref<!tpu.dma_semaphore, #tpu.memory_space<semaphore_mem>>)
        %dma_wait3A_62 = tpu.memref_slice %arg5[%mul3A_44] : memref<320000xi32, #tpu.memory_space<hbm>> -> memref<128xi32, #tpu.memory_space<hbm>>
        %dma_wait3A_63 = tpu.memref_slice %arg5[%mul3A_44] : memref<320000xi32, #tpu.memory_space<hbm>> -> memref<128xi32, #tpu.memory_space<hbm>>
        tpu.wait_dma2 semaphore(%run_scoped3A : memref<!tpu.dma_semaphore, #tpu.memory_space<semaphore_mem>>) src(%dma_wait3A_63 : memref<128xi32, #tpu.memory_space<hbm>>) dst(%arg11 : memref<128xi32, #tpu.memory_space<vmem>>)
        tpu.yield
      }) : () -> ()
      "tpu.region"() ({
        %run_scoped3A = tpu.sem_alloc : memref<!tpu.dma_semaphore, #tpu.memory_space<semaphore_mem>>
        %dma_start3A_60 = tpu.memref_slice %arg3[%mul3A_44] : memref<320000xi32, #tpu.memory_space<hbm>> -> memref<128xi32, #tpu.memory_space<hbm>>
        %dma_start3A_61 = tpu.memref_slice %arg3[%mul3A_44] : memref<320000xi32, #tpu.memory_space<hbm>> -> memref<128xi32, #tpu.memory_space<hbm>>
        tpu.enqueue_dma source(%dma_start3A_61 : memref<128xi32, #tpu.memory_space<hbm>>) target(%arg10 : memref<128xi32, #tpu.memory_space<vmem>>) target_semaphore(%run_scoped3A : memref<!tpu.dma_semaphore, #tpu.memory_space<semaphore_mem>>)
        %dma_wait3A_62 = tpu.memref_slice %arg3[%mul3A_44] : memref<320000xi32, #tpu.memory_space<hbm>> -> memref<128xi32, #tpu.memory_space<hbm>>
        %dma_wait3A_63 = tpu.memref_slice %arg3[%mul3A_44] : memref<320000xi32, #tpu.memory_space<hbm>> -> memref<128xi32, #tpu.memory_space<hbm>>
        tpu.wait_dma2 semaphore(%run_scoped3A : memref<!tpu.dma_semaphore, #tpu.memory_space<semaphore_mem>>) src(%dma_wait3A_63 : memref<128xi32, #tpu.memory_space<hbm>>) dst(%arg10 : memref<128xi32, #tpu.memory_space<vmem>>)
        tpu.yield
      }) : () -> ()
      %dma_start3A = arith.constant 0 : i32
      %dma_start3A_45 = arith.constant 0 : i32
      %dma_start3A_46 = tpu.memref_slice %arg2[%dma_start3A, %dma_start3A_45] : memref<10000x128xf32, #tpu.memory_space<hbm>> -> memref<10000x128xf32, #tpu.memory_space<hbm>>
      tpu.enqueue_indirect_dma source(%dma_start3A_46 : memref<10000x128xf32, #tpu.memory_space<hbm>>) target(%arg12 : memref<128x128xf32, #tpu.memory_space<vmem>>) offsets(%arg9 : memref<128xi32, #tpu.memory_space<vmem>>) semaphore(%arg14 : memref<!tpu.dma_semaphore, #tpu.memory_space<semaphore_mem>>)
      %dma_start3A_47 = arith.constant 0 : i32
      %dma_start3A_48 = arith.constant 0 : i32
      %dma_start3A_49 = tpu.memref_slice %arg6[%dma_start3A_47, %dma_start3A_48] : memref<16x128xf32, #tpu.memory_space<hbm>> -> memref<16x128xf32, #tpu.memory_space<hbm>>
      tpu.enqueue_indirect_dma source(%dma_start3A_49 : memref<16x128xf32, #tpu.memory_space<hbm>>) target(%arg13 : memref<128x128xf32, #tpu.memory_space<vmem>>) offsets(%arg11 : memref<128xi32, #tpu.memory_space<vmem>>) semaphore(%arg15 : memref<!tpu.dma_semaphore, #tpu.memory_space<semaphore_mem>>)
      %dma_wait3A = arith.constant 0 : i32
      %dma_wait3A_50 = arith.constant 0 : i32
      %dma_wait3A_51 = tpu.memref_slice %arg2[%dma_wait3A, %dma_wait3A_50] : memref<10000x128xf32, #tpu.memory_space<hbm>> -> memref<10000x128xf32, #tpu.memory_space<hbm>>
      tpu.wait_indirect_dma semaphore(%arg14 : memref<!tpu.dma_semaphore, #tpu.memory_space<semaphore_mem>>) src(%dma_wait3A_51 : memref<10000x128xf32, #tpu.memory_space<hbm>>) dst(%arg12 : memref<128x128xf32, #tpu.memory_space<vmem>>)
      %dma_wait3A_52 = arith.constant 0 : i32
      %dma_wait3A_53 = arith.constant 0 : i32
      %dma_wait3A_54 = tpu.memref_slice %arg6[%dma_wait3A_52, %dma_wait3A_53] : memref<16x128xf32, #tpu.memory_space<hbm>> -> memref<16x128xf32, #tpu.memory_space<hbm>>
      tpu.wait_indirect_dma semaphore(%arg15 : memref<!tpu.dma_semaphore, #tpu.memory_space<semaphore_mem>>) src(%dma_wait3A_54 : memref<16x128xf32, #tpu.memory_space<hbm>>) dst(%arg13 : memref<128x128xf32, #tpu.memory_space<vmem>>)
      %scan3A_55 = arith.constant 0 : i32
      %scan3A_56 = arith.constant 128 : i32
      %scan3A_57 = arith.addi %scan3A_55, %scan3A_56 : i32
      %scan3A_58 = arith.constant 1 : i32
      scf.for %scan3A_60 = %scan3A_55 to %scan3A_57 step %scan3A_58  : i32 {
        %mul3A_61 = arith.constant 1 : i32
        %mul3A_62 = arith.muli %scan3A_60, %mul3A_61 : i32
        %add3A_63 = arith.constant 0 : i32
        %add3A_64 = arith.addi %add3A_63, %mul3A_62 : i32
        %get3A = arith.index_cast %add3A_64 : i32 to index
        %get3A_65 = arith.constant 0 : index
        %get3A_66 = tpu.vector_load %arg12[%get3A, %get3A_65] {strides = array<i32>} : memref<128x128xf32, #tpu.memory_space<vmem>>, vector<1x16xf32>,
        %get3A_67 = vector.shape_cast %get3A_66 : vector<1x16xf32> to vector<16xf32>
        %get3A_68 = arith.index_cast %add3A_64 : i32 to index
        %get3A_69 = arith.constant 0 : index
        %get3A_70 = tpu.vector_load %arg13[%get3A_68, %get3A_69] {strides = array<i32>} : memref<128x128xf32, #tpu.memory_space<vmem>>, vector<1x16xf32>,
        %get3A_71 = vector.shape_cast %get3A_70 : vector<1x16xf32> to vector<16xf32>
        %mul3A_72 = arith.mulf %get3A_67, %get3A_71 : vector<16xf32>
        %swap3A = arith.index_cast %add3A_64 : i32 to index
        %swap3A_73 = arith.constant 0 : index
        %swap3A_74 = tpu.vector_load %arg12[%swap3A, %swap3A_73] {strides = array<i32>} : memref<128x128xf32, #tpu.memory_space<vmem>>, vector<1x16xf32>,
        %swap3A_75 = vector.shape_cast %swap3A_74 : vector<1x16xf32> to vector<16xf32>
        %swap3A_76 = vector.shape_cast %mul3A_72 : vector<16xf32> to vector<1x16xf32>
        tpu.vector_store %arg12[%swap3A, %swap3A_73], %swap3A_76 {strides = array<i32>} : memref<128x128xf32, #tpu.memory_space<vmem>>, vector<1x16xf32>,
        %get3A_77 = arith.index_cast %add3A_64 : i32 to index
        %get3A_78 = arith.constant 16 : index
        %get3A_79 = tpu.vector_load %arg12[%get3A_77, %get3A_78] {strides = array<i32>} : memref<128x128xf32, #tpu.memory_space<vmem>>, vector<1x16xf32>,
        %get3A_80 = vector.shape_cast %get3A_79 : vector<1x16xf32> to vector<16xf32>
        %get3A_81 = arith.index_cast %add3A_64 : i32 to index
        %get3A_82 = arith.constant 16 : index
        %get3A_83 = tpu.vector_load %arg13[%get3A_81, %get3A_82] {strides = array<i32>} : memref<128x128xf32, #tpu.memory_space<vmem>>, vector<1x16xf32>,
        %get3A_84 = vector.shape_cast %get3A_83 : vector<1x16xf32> to vector<16xf32>
        %mul3A_85 = arith.mulf %get3A_80, %get3A_84 : vector<16xf32>
        %swap3A_86 = arith.index_cast %add3A_64 : i32 to index
        %swap3A_87 = arith.constant 16 : index
        %swap3A_88 = tpu.vector_load %arg12[%swap3A_86, %swap3A_87] {strides = array<i32>} : memref<128x128xf32, #tpu.memory_space<vmem>>, vector<1x16xf32>,
        %swap3A_89 = vector.shape_cast %swap3A_88 : vector<1x16xf32> to vector<16xf32>
        %swap3A_90 = vector.shape_cast %mul3A_85 : vector<16xf32> to vector<1x16xf32>
        tpu.vector_store %arg12[%swap3A_86, %swap3A_87], %swap3A_90 {strides = array<i32>} : memref<128x128xf32, #tpu.memory_space<vmem>>, vector<1x16xf32>,
        %get3A_91 = arith.index_cast %add3A_64 : i32 to index
        %get3A_92 = arith.constant 32 : index
        %get3A_93 = tpu.vector_load %arg12[%get3A_91, %get3A_92] {strides = array<i32>} : memref<128x128xf32, #tpu.memory_space<vmem>>, vector<1x16xf32>,
        %get3A_94 = vector.shape_cast %get3A_93 : vector<1x16xf32> to vector<16xf32>
        %get3A_95 = arith.index_cast %add3A_64 : i32 to index
        %get3A_96 = arith.constant 32 : index
        %get3A_97 = tpu.vector_load %arg13[%get3A_95, %get3A_96] {strides = array<i32>} : memref<128x128xf32, #tpu.memory_space<vmem>>, vector<1x16xf32>,
        %get3A_98 = vector.shape_cast %get3A_97 : vector<1x16xf32> to vector<16xf32>
        %mul3A_99 = arith.mulf %get3A_94, %get3A_98 : vector<16xf32>
        %swap3A_100 = arith.index_cast %add3A_64 : i32 to index
        %swap3A_101 = arith.constant 32 : index
        %swap3A_102 = tpu.vector_load %arg12[%swap3A_100, %swap3A_101] {strides = array<i32>} : memref<128x128xf32, #tpu.memory_space<vmem>>, vector<1x16xf32>,
        %swap3A_103 = vector.shape_cast %swap3A_102 : vector<1x16xf32> to vector<16xf32>
        %swap3A_104 = vector.shape_cast %mul3A_99 : vector<16xf32> to vector<1x16xf32>
        tpu.vector_store %arg12[%swap3A_100, %swap3A_101], %swap3A_104 {strides = array<i32>} : memref<128x128xf32, #tpu.memory_space<vmem>>, vector<1x16xf32>,
        %get3A_105 = arith.index_cast %add3A_64 : i32 to index
        %get3A_106 = arith.constant 48 : index
        %get3A_107 = tpu.vector_load %arg12[%get3A_105, %get3A_106] {strides = array<i32>} : memref<128x128xf32, #tpu.memory_space<vmem>>, vector<1x16xf32>,
        %get3A_108 = vector.shape_cast %get3A_107 : vector<1x16xf32> to vector<16xf32>
        %get3A_109 = arith.index_cast %add3A_64 : i32 to index
        %get3A_110 = arith.constant 48 : index
        %get3A_111 = tpu.vector_load %arg13[%get3A_109, %get3A_110] {strides = array<i32>} : memref<128x128xf32, #tpu.memory_space<vmem>>, vector<1x16xf32>,
        %get3A_112 = vector.shape_cast %get3A_111 : vector<1x16xf32> to vector<16xf32>
        %mul3A_113 = arith.mulf %get3A_108, %get3A_112 : vector<16xf32>
        %swap3A_114 = arith.index_cast %add3A_64 : i32 to index
        %swap3A_115 = arith.constant 48 : index
        %swap3A_116 = tpu.vector_load %arg12[%swap3A_114, %swap3A_115] {strides = array<i32>} : memref<128x128xf32, #tpu.memory_space<vmem>>, vector<1x16xf32>,
        %swap3A_117 = vector.shape_cast %swap3A_116 : vector<1x16xf32> to vector<16xf32>
        %swap3A_118 = vector.shape_cast %mul3A_113 : vector<16xf32> to vector<1x16xf32>
        tpu.vector_store %arg12[%swap3A_114, %swap3A_115], %swap3A_118 {strides = array<i32>} : memref<128x128xf32, #tpu.memory_space<vmem>>, vector<1x16xf32>,
        %get3A_119 = arith.index_cast %add3A_64 : i32 to index
        %get3A_120 = arith.constant 64 : index
        %get3A_121 = tpu.vector_load %arg12[%get3A_119, %get3A_120] {strides = array<i32>} : memref<128x128xf32, #tpu.memory_space<vmem>>, vector<1x16xf32>,
        %get3A_122 = vector.shape_cast %get3A_121 : vector<1x16xf32> to vector<16xf32>
        %get3A_123 = arith.index_cast %add3A_64 : i32 to index
        %get3A_124 = arith.constant 64 : index
        %get3A_125 = tpu.vector_load %arg13[%get3A_123, %get3A_124] {strides = array<i32>} : memref<128x128xf32, #tpu.memory_space<vmem>>, vector<1x16xf32>,
        %get3A_126 = vector.shape_cast %get3A_125 : vector<1x16xf32> to vector<16xf32>
        %mul3A_127 = arith.mulf %get3A_122, %get3A_126 : vector<16xf32>
        %swap3A_128 = arith.index_cast %add3A_64 : i32 to index
        %swap3A_129 = arith.constant 64 : index
        %swap3A_130 = tpu.vector_load %arg12[%swap3A_128, %swap3A_129] {strides = array<i32>} : memref<128x128xf32, #tpu.memory_space<vmem>>, vector<1x16xf32>,
        %swap3A_131 = vector.shape_cast %swap3A_130 : vector<1x16xf32> to vector<16xf32>
        %swap3A_132 = vector.shape_cast %mul3A_127 : vector<16xf32> to vector<1x16xf32>
        tpu.vector_store %arg12[%swap3A_128, %swap3A_129], %swap3A_132 {strides = array<i32>} : memref<128x128xf32, #tpu.memory_space<vmem>>, vector<1x16xf32>,
        %get3A_133 = arith.index_cast %add3A_64 : i32 to index
        %get3A_134 = arith.constant 80 : index
        %get3A_135 = tpu.vector_load %arg12[%get3A_133, %get3A_134] {strides = array<i32>} : memref<128x128xf32, #tpu.memory_space<vmem>>, vector<1x16xf32>,
        %get3A_136 = vector.shape_cast %get3A_135 : vector<1x16xf32> to vector<16xf32>
        %get3A_137 = arith.index_cast %add3A_64 : i32 to index
        %get3A_138 = arith.constant 80 : index
        %get3A_139 = tpu.vector_load %arg13[%get3A_137, %get3A_138] {strides = array<i32>} : memref<128x128xf32, #tpu.memory_space<vmem>>, vector<1x16xf32>,
        %get3A_140 = vector.shape_cast %get3A_139 : vector<1x16xf32> to vector<16xf32>
        %mul3A_141 = arith.mulf %get3A_136, %get3A_140 : vector<16xf32>
        %swap3A_142 = arith.index_cast %add3A_64 : i32 to index
        %swap3A_143 = arith.constant 80 : index
        %swap3A_144 = tpu.vector_load %arg12[%swap3A_142, %swap3A_143] {strides = array<i32>} : memref<128x128xf32, #tpu.memory_space<vmem>>, vector<1x16xf32>,
        %swap3A_145 = vector.shape_cast %swap3A_144 : vector<1x16xf32> to vector<16xf32>
        %swap3A_146 = vector.shape_cast %mul3A_141 : vector<16xf32> to vector<1x16xf32>
        tpu.vector_store %arg12[%swap3A_142, %swap3A_143], %swap3A_146 {strides = array<i32>} : memref<128x128xf32, #tpu.memory_space<vmem>>, vector<1x16xf32>,
        %get3A_147 = arith.index_cast %add3A_64 : i32 to index
        %get3A_148 = arith.constant 96 : index
        %get3A_149 = tpu.vector_load %arg12[%get3A_147, %get3A_148] {strides = array<i32>} : memref<128x128xf32, #tpu.memory_space<vmem>>, vector<1x16xf32>,
        %get3A_150 = vector.shape_cast %get3A_149 : vector<1x16xf32> to vector<16xf32>
        %get3A_151 = arith.index_cast %add3A_64 : i32 to index
        %get3A_152 = arith.constant 96 : index
        %get3A_153 = tpu.vector_load %arg13[%get3A_151, %get3A_152] {strides = array<i32>} : memref<128x128xf32, #tpu.memory_space<vmem>>, vector<1x16xf32>,
        %get3A_154 = vector.shape_cast %get3A_153 : vector<1x16xf32> to vector<16xf32>
        %mul3A_155 = arith.mulf %get3A_150, %get3A_154 : vector<16xf32>
        %swap3A_156 = arith.index_cast %add3A_64 : i32 to index
        %swap3A_157 = arith.constant 96 : index
        %swap3A_158 = tpu.vector_load %arg12[%swap3A_156, %swap3A_157] {strides = array<i32>} : memref<128x128xf32, #tpu.memory_space<vmem>>, vector<1x16xf32>,
        %swap3A_159 = vector.shape_cast %swap3A_158 : vector<1x16xf32> to vector<16xf32>
        %swap3A_160 = vector.shape_cast %mul3A_155 : vector<16xf32> to vector<1x16xf32>
        tpu.vector_store %arg12[%swap3A_156, %swap3A_157], %swap3A_160 {strides = array<i32>} : memref<128x128xf32, #tpu.memory_space<vmem>>, vector<1x16xf32>,
        %get3A_161 = arith.index_cast %add3A_64 : i32 to index
        %get3A_162 = arith.constant 112 : index
        %get3A_163 = tpu.vector_load %arg12[%get3A_161, %get3A_162] {strides = array<i32>} : memref<128x128xf32, #tpu.memory_space<vmem>>, vector<1x16xf32>,
        %get3A_164 = vector.shape_cast %get3A_163 : vector<1x16xf32> to vector<16xf32>
        %get3A_165 = arith.index_cast %add3A_64 : i32 to index
        %get3A_166 = arith.constant 112 : index
        %get3A_167 = tpu.vector_load %arg13[%get3A_165, %get3A_166] {strides = array<i32>} : memref<128x128xf32, #tpu.memory_space<vmem>>, vector<1x16xf32>,
        %get3A_168 = vector.shape_cast %get3A_167 : vector<1x16xf32> to vector<16xf32>
        %mul3A_169 = arith.mulf %get3A_164, %get3A_168 : vector<16xf32>
        %swap3A_170 = arith.index_cast %add3A_64 : i32 to index
        %swap3A_171 = arith.constant 112 : index
        %swap3A_172 = tpu.vector_load %arg12[%swap3A_170, %swap3A_171] {strides = array<i32>} : memref<128x128xf32, #tpu.memory_space<vmem>>, vector<1x16xf32>,
        %swap3A_173 = vector.shape_cast %swap3A_172 : vector<1x16xf32> to vector<16xf32>
        %swap3A_174 = vector.shape_cast %mul3A_169 : vector<16xf32> to vector<1x16xf32>
        tpu.vector_store %arg12[%swap3A_170, %swap3A_171], %swap3A_174 {strides = array<i32>} : memref<128x128xf32, #tpu.memory_space<vmem>>, vector<1x16xf32>,
      }
      %scan3A_59 = arith.constant 128 : i32
      "tpu.region"() ({
        %run_scoped3A = tpu.sem_alloc : memref<!tpu.dma_semaphore, #tpu.memory_space<semaphore_mem>>
        %dma_start3A_60 = arith.constant 0 : i32
        %dma_start3A_61 = arith.constant 0 : i32
        %dma_start3A_62 = tpu.memref_slice %arg8[%dma_start3A_60, %dma_start3A_61] : memref<10240x128xf32, #tpu.memory_space<vmem_shared>> -> memref<10240x128xf32, #tpu.memory_space<vmem_shared>>
        tpu.enqueue_indirect_dma source(%arg12 : memref<128x128xf32, #tpu.memory_space<vmem>>) target(%dma_start3A_62 : memref<10240x128xf32, #tpu.memory_space<vmem_shared>>) offsets(%arg10 : memref<128xi32, #tpu.memory_space<vmem>>) semaphore(%run_scoped3A : memref<!tpu.dma_semaphore, #tpu.memory_space<semaphore_mem>>) {add = true}
        %dma_wait3A_63 = arith.constant 0 : i32
        %dma_wait3A_64 = arith.constant 0 : i32
        %dma_wait3A_65 = tpu.memref_slice %arg8[%dma_wait3A_63, %dma_wait3A_64] : memref<10240x128xf32, #tpu.memory_space<vmem_shared>> -> memref<10240x128xf32, #tpu.memory_space<vmem_shared>>
        tpu.wait_indirect_dma semaphore(%run_scoped3A : memref<!tpu.dma_semaphore, #tpu.memory_space<semaphore_mem>>) src(%arg12 : memref<128x128xf32, #tpu.memory_space<vmem>>) dst(%dma_wait3A_65 : memref<10240x128xf32, #tpu.memory_space<vmem_shared>>)
        tpu.yield
      }) : () -> ()
    }
    %while3A_35 = arith.constant 1 : i32
    scf.for %while3A_37 = %while3A_33 to %while3A_29 step %while3A_35  : i32 {
      %mul3A_38 = arith.muli %while3A_37, %while3A : i32
      %add3A_39 = arith.addi %while3A_26, %mul3A_38 : i32
      %mul3A_40 = arith.constant 32 : i32
      %mul3A_41 = arith.muli %add3A_39, %mul3A_40 : i32
      %add3A_42 = arith.addi %add3A, %mul3A_41 : i32
      %mul3A_43 = arith.constant 128 : i32
      %mul3A_44 = arith.muli %add3A_42, %mul3A_43 : i32
      "tpu.region"() ({
        %run_scoped3A = tpu.sem_alloc : memref<!tpu.dma_semaphore, #tpu.memory_space<semaphore_mem>>
        %dma_start3A_60 = tpu.memref_slice %arg4[%mul3A_44] : memref<320000xi32, #tpu.memory_space<hbm>> -> memref<128xi32, #tpu.memory_space<hbm>>
        %dma_start3A_61 = tpu.memref_slice %arg4[%mul3A_44] : memref<320000xi32, #tpu.memory_space<hbm>> -> memref<128xi32, #tpu.memory_space<hbm>>
        tpu.enqueue_dma source(%dma_start3A_61 : memref<128xi32, #tpu.memory_space<hbm>>) target(%arg9 : memref<128xi32, #tpu.memory_space<vmem>>) target_semaphore(%run_scoped3A : memref<!tpu.dma_semaphore, #tpu.memory_space<semaphore_mem>>)
        %dma_wait3A_62 = tpu.memref_slice %arg4[%mul3A_44] : memref<320000xi32, #tpu.memory_space<hbm>> -> memref<128xi32, #tpu.memory_space<hbm>>
        %dma_wait3A_63 = tpu.memref_slice %arg4[%mul3A_44] : memref<320000xi32, #tpu.memory_space<hbm>> -> memref<128xi32, #tpu.memory_space<hbm>>
        tpu.wait_dma2 semaphore(%run_scoped3A : memref<!tpu.dma_semaphore, #tpu.memory_space<semaphore_mem>>) src(%dma_wait3A_63 : memref<128xi32, #tpu.memory_space<hbm>>) dst(%arg9 : memref<128xi32, #tpu.memory_space<vmem>>)
        tpu.yield
      }) : () -> ()
      "tpu.region"() ({
        %run_scoped3A = tpu.sem_alloc : memref<!tpu.dma_semaphore, #tpu.memory_space<semaphore_mem>>
        %dma_start3A_60 = tpu.memref_slice %arg5[%mul3A_44] : memref<320000xi32, #tpu.memory_space<hbm>> -> memref<128xi32, #tpu.memory_space<hbm>>
        %dma_start3A_61 = tpu.memref_slice %arg5[%mul3A_44] : memref<320000xi32, #tpu.memory_space<hbm>> -> memref<128xi32, #tpu.memory_space<hbm>>
        tpu.enqueue_dma source(%dma_start3A_61 : memref<128xi32, #tpu.memory_space<hbm>>) target(%arg11 : memref<128xi32, #tpu.memory_space<vmem>>) target_semaphore(%run_scoped3A : memref<!tpu.dma_semaphore, #tpu.memory_space<semaphore_mem>>)
        %dma_wait3A_62 = tpu.memref_slice %arg5[%mul3A_44] : memref<320000xi32, #tpu.memory_space<hbm>> -> memref<128xi32, #tpu.memory_space<hbm>>
        %dma_wait3A_63 = tpu.memref_slice %arg5[%mul3A_44] : memref<320000xi32, #tpu.memory_space<hbm>> -> memref<128xi32, #tpu.memory_space<hbm>>
        tpu.wait_dma2 semaphore(%run_scoped3A : memref<!tpu.dma_semaphore, #tpu.memory_space<semaphore_mem>>) src(%dma_wait3A_63 : memref<128xi32, #tpu.memory_space<hbm>>) dst(%arg11 : memref<128xi32, #tpu.memory_space<vmem>>)
        tpu.yield
      }) : () -> ()
      "tpu.region"() ({
        %run_scoped3A = tpu.sem_alloc : memref<!tpu.dma_semaphore, #tpu.memory_space<semaphore_mem>>
        %dma_start3A_60 = tpu.memref_slice %arg3[%mul3A_44] : memref<320000xi32, #tpu.memory_space<hbm>> -> memref<128xi32, #tpu.memory_space<hbm>>
        %dma_start3A_61 = tpu.memref_slice %arg3[%mul3A_44] : memref<320000xi32, #tpu.memory_space<hbm>> -> memref<128xi32, #tpu.memory_space<hbm>>
        tpu.enqueue_dma source(%dma_start3A_61 : memref<128xi32, #tpu.memory_space<hbm>>) target(%arg10 : memref<128xi32, #tpu.memory_space<vmem>>) target_semaphore(%run_scoped3A : memref<!tpu.dma_semaphore, #tpu.memory_space<semaphore_mem>>)
        %dma_wait3A_62 = tpu.memref_slice %arg3[%mul3A_44] : memref<320000xi32, #tpu.memory_space<hbm>> -> memref<128xi32, #tpu.memory_space<hbm>>
        %dma_wait3A_63 = tpu.memref_slice %arg3[%mul3A_44] : memref<320000xi32, #tpu.memory_space<hbm>> -> memref<128xi32, #tpu.memory_space<hbm>>
        tpu.wait_dma2 semaphore(%run_scoped3A : memref<!tpu.dma_semaphore, #tpu.memory_space<semaphore_mem>>) src(%dma_wait3A_63 : memref<128xi32, #tpu.memory_space<hbm>>) dst(%arg10 : memref<128xi32, #tpu.memory_space<vmem>>)
        tpu.yield
      }) : () -> ()
      %dma_start3A = arith.constant 0 : i32
      %dma_start3A_45 = arith.constant 0 : i32
      %dma_start3A_46 = tpu.memref_slice %arg2[%dma_start3A, %dma_start3A_45] : memref<10000x128xf32, #tpu.memory_space<hbm>> -> memref<10000x128xf32, #tpu.memory_space<hbm>>
      tpu.enqueue_indirect_dma source(%dma_start3A_46 : memref<10000x128xf32, #tpu.memory_space<hbm>>) target(%arg12 : memref<128x128xf32, #tpu.memory_space<vmem>>) offsets(%arg9 : memref<128xi32, #tpu.memory_space<vmem>>) semaphore(%arg14 : memref<!tpu.dma_semaphore, #tpu.memory_space<semaphore_mem>>)
      %dma_start3A_47 = arith.constant 0 : i32
      %dma_start3A_48 = arith.constant 0 : i32
      %dma_start3A_49 = tpu.memref_slice %arg6[%dma_start3A_47, %dma_start3A_48] : memref<16x128xf32, #tpu.memory_space<hbm>> -> memref<16x128xf32, #tpu.memory_space<hbm>>
      tpu.enqueue_indirect_dma source(%dma_start3A_49 : memref<16x128xf32, #tpu.memory_space<hbm>>) target(%arg13 : memref<128x128xf32, #tpu.memory_space<vmem>>) offsets(%arg11 : memref<128xi32, #tpu.memory_space<vmem>>) semaphore(%arg15 : memref<!tpu.dma_semaphore, #tpu.memory_space<semaphore_mem>>)
      %dma_wait3A = arith.constant 0 : i32
      %dma_wait3A_50 = arith.constant 0 : i32
      %dma_wait3A_51 = tpu.memref_slice %arg2[%dma_wait3A, %dma_wait3A_50] : memref<10000x128xf32, #tpu.memory_space<hbm>> -> memref<10000x128xf32, #tpu.memory_space<hbm>>
      tpu.wait_indirect_dma semaphore(%arg14 : memref<!tpu.dma_semaphore, #tpu.memory_space<semaphore_mem>>) src(%dma_wait3A_51 : memref<10000x128xf32, #tpu.memory_space<hbm>>) dst(%arg12 : memref<128x128xf32, #tpu.memory_space<vmem>>)
      %dma_wait3A_52 = arith.constant 0 : i32
      %dma_wait3A_53 = arith.constant 0 : i32
      %dma_wait3A_54 = tpu.memref_slice %arg6[%dma_wait3A_52, %dma_wait3A_53] : memref<16x128xf32, #tpu.memory_space<hbm>> -> memref<16x128xf32, #tpu.memory_space<hbm>>
      tpu.wait_indirect_dma semaphore(%arg15 : memref<!tpu.dma_semaphore, #tpu.memory_space<semaphore_mem>>) src(%dma_wait3A_54 : memref<16x128xf32, #tpu.memory_space<hbm>>) dst(%arg13 : memref<128x128xf32, #tpu.memory_space<vmem>>)
      %scan3A_55 = arith.constant 0 : i32
      %scan3A_56 = arith.constant 128 : i32
      %scan3A_57 = arith.addi %scan3A_55, %scan3A_56 : i32
      %scan3A_58 = arith.constant 1 : i32
      scf.for %scan3A_60 = %scan3A_55 to %scan3A_57 step %scan3A_58  : i32 {
        %mul3A_61 = arith.constant 1 : i32
        %mul3A_62 = arith.muli %scan3A_60, %mul3A_61 : i32
        %add3A_63 = arith.constant 0 : i32
        %add3A_64 = arith.addi %add3A_63, %mul3A_62 : i32
        %get3A = arith.index_cast %add3A_64 : i32 to index
        %get3A_65 = arith.constant 0 : index
        %get3A_66 = tpu.vector_load %arg12[%get3A, %get3A_65] {strides = array<i32>} : memref<128x128xf32, #tpu.memory_space<vmem>>, vector<1x16xf32>,
        %get3A_67 = vector.shape_cast %get3A_66 : vector<1x16xf32> to vector<16xf32>
        %get3A_68 = arith.index_cast %add3A_64 : i32 to index
        %get3A_69 = arith.constant 0 : index
        %get3A_70 = tpu.vector_load %arg13[%get3A_68, %get3A_69] {strides = array<i32>} : memref<128x128xf32, #tpu.memory_space<vmem>>, vector<1x16xf32>,
        %get3A_71 = vector.shape_cast %get3A_70 : vector<1x16xf32> to vector<16xf32>
        %mul3A_72 = arith.mulf %get3A_67, %get3A_71 : vector<16xf32>
        %swap3A = arith.index_cast %add3A_64 : i32 to index
        %swap3A_73 = arith.constant 0 : index
        %swap3A_74 = tpu.vector_load %arg12[%swap3A, %swap3A_73] {strides = array<i32>} : memref<128x128xf32, #tpu.memory_space<vmem>>, vector<1x16xf32>,
        %swap3A_75 = vector.shape_cast %swap3A_74 : vector<1x16xf32> to vector<16xf32>
        %swap3A_76 = vector.shape_cast %mul3A_72 : vector<16xf32> to vector<1x16xf32>
        tpu.vector_store %arg12[%swap3A, %swap3A_73], %swap3A_76 {strides = array<i32>} : memref<128x128xf32, #tpu.memory_space<vmem>>, vector<1x16xf32>,
        %get3A_77 = arith.index_cast %add3A_64 : i32 to index
        %get3A_78 = arith.constant 16 : index
        %get3A_79 = tpu.vector_load %arg12[%get3A_77, %get3A_78] {strides = array<i32>} : memref<128x128xf32, #tpu.memory_space<vmem>>, vector<1x16xf32>,
        %get3A_80 = vector.shape_cast %get3A_79 : vector<1x16xf32> to vector<16xf32>
        %get3A_81 = arith.index_cast %add3A_64 : i32 to index
        %get3A_82 = arith.constant 16 : index
        %get3A_83 = tpu.vector_load %arg13[%get3A_81, %get3A_82] {strides = array<i32>} : memref<128x128xf32, #tpu.memory_space<vmem>>, vector<1x16xf32>,
        %get3A_84 = vector.shape_cast %get3A_83 : vector<1x16xf32> to vector<16xf32>
        %mul3A_85 = arith.mulf %get3A_80, %get3A_84 : vector<16xf32>
        %swap3A_86 = arith.index_cast %add3A_64 : i32 to index
        %swap3A_87 = arith.constant 16 : index
        %swap3A_88 = tpu.vector_load %arg12[%swap3A_86, %swap3A_87] {strides = array<i32>} : memref<128x128xf32, #tpu.memory_space<vmem>>, vector<1x16xf32>,
        %swap3A_89 = vector.shape_cast %swap3A_88 : vector<1x16xf32> to vector<16xf32>
        %swap3A_90 = vector.shape_cast %mul3A_85 : vector<16xf32> to vector<1x16xf32>
        tpu.vector_store %arg12[%swap3A_86, %swap3A_87], %swap3A_90 {strides = array<i32>} : memref<128x128xf32, #tpu.memory_space<vmem>>, vector<1x16xf32>,
        %get3A_91 = arith.index_cast %add3A_64 : i32 to index
        %get3A_92 = arith.constant 32 : index
        %get3A_93 = tpu.vector_load %arg12[%get3A_91, %get3A_92] {strides = array<i32>} : memref<128x128xf32, #tpu.memory_space<vmem>>, vector<1x16xf32>,
        %get3A_94 = vector.shape_cast %get3A_93 : vector<1x16xf32> to vector<16xf32>
        %get3A_95 = arith.index_cast %add3A_64 : i32 to index
        %get3A_96 = arith.constant 32 : index
        %get3A_97 = tpu.vector_load %arg13[%get3A_95, %get3A_96] {strides = array<i32>} : memref<128x128xf32, #tpu.memory_space<vmem>>, vector<1x16xf32>,
        %get3A_98 = vector.shape_cast %get3A_97 : vector<1x16xf32> to vector<16xf32>
        %mul3A_99 = arith.mulf %get3A_94, %get3A_98 : vector<16xf32>
        %swap3A_100 = arith.index_cast %add3A_64 : i32 to index
        %swap3A_101 = arith.constant 32 : index
        %swap3A_102 = tpu.vector_load %arg12[%swap3A_100, %swap3A_101] {strides = array<i32>} : memref<128x128xf32, #tpu.memory_space<vmem>>, vector<1x16xf32>,
        %swap3A_103 = vector.shape_cast %swap3A_102 : vector<1x16xf32> to vector<16xf32>
        %swap3A_104 = vector.shape_cast %mul3A_99 : vector<16xf32> to vector<1x16xf32>
        tpu.vector_store %arg12[%swap3A_100, %swap3A_101], %swap3A_104 {strides = array<i32>} : memref<128x128xf32, #tpu.memory_space<vmem>>, vector<1x16xf32>,
        %get3A_105 = arith.index_cast %add3A_64 : i32 to index
        %get3A_106 = arith.constant 48 : index
        %get3A_107 = tpu.vector_load %arg12[%get3A_105, %get3A_106] {strides = array<i32>} : memref<128x128xf32, #tpu.memory_space<vmem>>, vector<1x16xf32>,
        %get3A_108 = vector.shape_cast %get3A_107 : vector<1x16xf32> to vector<16xf32>
        %get3A_109 = arith.index_cast %add3A_64 : i32 to index
        %get3A_110 = arith.constant 48 : index
        %get3A_111 = tpu.vector_load %arg13[%get3A_109, %get3A_110] {strides = array<i32>} : memref<128x128xf32, #tpu.memory_space<vmem>>, vector<1x16xf32>,
        %get3A_112 = vector.shape_cast %get3A_111 : vector<1x16xf32> to vector<16xf32>
        %mul3A_113 = arith.mulf %get3A_108, %get3A_112 : vector<16xf32>
        %swap3A_114 = arith.index_cast %add3A_64 : i32 to index
        %swap3A_115 = arith.constant 48 : index
        %swap3A_116 = tpu.vector_load %arg12[%swap3A_114, %swap3A_115] {strides = array<i32>} : memref<128x128xf32, #tpu.memory_space<vmem>>, vector<1x16xf32>,
        %swap3A_117 = vector.shape_cast %swap3A_116 : vector<1x16xf32> to vector<16xf32>
        %swap3A_118 = vector.shape_cast %mul3A_113 : vector<16xf32> to vector<1x16xf32>
        tpu.vector_store %arg12[%swap3A_114, %swap3A_115], %swap3A_118 {strides = array<i32>} : memref<128x128xf32, #tpu.memory_space<vmem>>, vector<1x16xf32>,
        %get3A_119 = arith.index_cast %add3A_64 : i32 to index
        %get3A_120 = arith.constant 64 : index
        %get3A_121 = tpu.vector_load %arg12[%get3A_119, %get3A_120] {strides = array<i32>} : memref<128x128xf32, #tpu.memory_space<vmem>>, vector<1x16xf32>,
        %get3A_122 = vector.shape_cast %get3A_121 : vector<1x16xf32> to vector<16xf32>
        %get3A_123 = arith.index_cast %add3A_64 : i32 to index
        %get3A_124 = arith.constant 64 : index
        %get3A_125 = tpu.vector_load %arg13[%get3A_123, %get3A_124] {strides = array<i32>} : memref<128x128xf32, #tpu.memory_space<vmem>>, vector<1x16xf32>,
        %get3A_126 = vector.shape_cast %get3A_125 : vector<1x16xf32> to vector<16xf32>
        %mul3A_127 = arith.mulf %get3A_122, %get3A_126 : vector<16xf32>
        %swap3A_128 = arith.index_cast %add3A_64 : i32 to index
        %swap3A_129 = arith.constant 64 : index
        %swap3A_130 = tpu.vector_load %arg12[%swap3A_128, %swap3A_129] {strides = array<i32>} : memref<128x128xf32, #tpu.memory_space<vmem>>, vector<1x16xf32>,
        %swap3A_131 = vector.shape_cast %swap3A_130 : vector<1x16xf32> to vector<16xf32>
        %swap3A_132 = vector.shape_cast %mul3A_127 : vector<16xf32> to vector<1x16xf32>
        tpu.vector_store %arg12[%swap3A_128, %swap3A_129], %swap3A_132 {strides = array<i32>} : memref<128x128xf32, #tpu.memory_space<vmem>>, vector<1x16xf32>,
        %get3A_133 = arith.index_cast %add3A_64 : i32 to index
        %get3A_134 = arith.constant 80 : index
        %get3A_135 = tpu.vector_load %arg12[%get3A_133, %get3A_134] {strides = array<i32>} : memref<128x128xf32, #tpu.memory_space<vmem>>, vector<1x16xf32>,
        %get3A_136 = vector.shape_cast %get3A_135 : vector<1x16xf32> to vector<16xf32>
        %get3A_137 = arith.index_cast %add3A_64 : i32 to index
        %get3A_138 = arith.constant 80 : index
        %get3A_139 = tpu.vector_load %arg13[%get3A_137, %get3A_138] {strides = array<i32>} : memref<128x128xf32, #tpu.memory_space<vmem>>, vector<1x16xf32>,
        %get3A_140 = vector.shape_cast %get3A_139 : vector<1x16xf32> to vector<16xf32>
        %mul3A_141 = arith.mulf %get3A_136, %get3A_140 : vector<16xf32>
        %swap3A_142 = arith.index_cast %add3A_64 : i32 to index
        %swap3A_143 = arith.constant 80 : index
        %swap3A_144 = tpu.vector_load %arg12[%swap3A_142, %swap3A_143] {strides = array<i32>} : memref<128x128xf32, #tpu.memory_space<vmem>>, vector<1x16xf32>,
        %swap3A_145 = vector.shape_cast %swap3A_144 : vector<1x16xf32> to vector<16xf32>
        %swap3A_146 = vector.shape_cast %mul3A_141 : vector<16xf32> to vector<1x16xf32>
        tpu.vector_store %arg12[%swap3A_142, %swap3A_143], %swap3A_146 {strides = array<i32>} : memref<128x128xf32, #tpu.memory_space<vmem>>, vector<1x16xf32>,
        %get3A_147 = arith.index_cast %add3A_64 : i32 to index
        %get3A_148 = arith.constant 96 : index
        %get3A_149 = tpu.vector_load %arg12[%get3A_147, %get3A_148] {strides = array<i32>} : memref<128x128xf32, #tpu.memory_space<vmem>>, vector<1x16xf32>,
        %get3A_150 = vector.shape_cast %get3A_149 : vector<1x16xf32> to vector<16xf32>
        %get3A_151 = arith.index_cast %add3A_64 : i32 to index
        %get3A_152 = arith.constant 96 : index
        %get3A_153 = tpu.vector_load %arg13[%get3A_151, %get3A_152] {strides = array<i32>} : memref<128x128xf32, #tpu.memory_space<vmem>>, vector<1x16xf32>,
        %get3A_154 = vector.shape_cast %get3A_153 : vector<1x16xf32> to vector<16xf32>
        %mul3A_155 = arith.mulf %get3A_150, %get3A_154 : vector<16xf32>
        %swap3A_156 = arith.index_cast %add3A_64 : i32 to index
        %swap3A_157 = arith.constant 96 : index
        %swap3A_158 = tpu.vector_load %arg12[%swap3A_156, %swap3A_157] {strides = array<i32>} : memref<128x128xf32, #tpu.memory_space<vmem>>, vector<1x16xf32>,
        %swap3A_159 = vector.shape_cast %swap3A_158 : vector<1x16xf32> to vector<16xf32>
        %swap3A_160 = vector.shape_cast %mul3A_155 : vector<16xf32> to vector<1x16xf32>
        tpu.vector_store %arg12[%swap3A_156, %swap3A_157], %swap3A_160 {strides = array<i32>} : memref<128x128xf32, #tpu.memory_space<vmem>>, vector<1x16xf32>,
        %get3A_161 = arith.index_cast %add3A_64 : i32 to index
        %get3A_162 = arith.constant 112 : index
        %get3A_163 = tpu.vector_load %arg12[%get3A_161, %get3A_162] {strides = array<i32>} : memref<128x128xf32, #tpu.memory_space<vmem>>, vector<1x16xf32>,
        %get3A_164 = vector.shape_cast %get3A_163 : vector<1x16xf32> to vector<16xf32>
        %get3A_165 = arith.index_cast %add3A_64 : i32 to index
        %get3A_166 = arith.constant 112 : index
        %get3A_167 = tpu.vector_load %arg13[%get3A_165, %get3A_166] {strides = array<i32>} : memref<128x128xf32, #tpu.memory_space<vmem>>, vector<1x16xf32>,
        %get3A_168 = vector.shape_cast %get3A_167 : vector<1x16xf32> to vector<16xf32>
        %mul3A_169 = arith.mulf %get3A_164, %get3A_168 : vector<16xf32>
        %swap3A_170 = arith.index_cast %add3A_64 : i32 to index
        %swap3A_171 = arith.constant 112 : index
        %swap3A_172 = tpu.vector_load %arg12[%swap3A_170, %swap3A_171] {strides = array<i32>} : memref<128x128xf32, #tpu.memory_space<vmem>>, vector<1x16xf32>,
        %swap3A_173 = vector.shape_cast %swap3A_172 : vector<1x16xf32> to vector<16xf32>
        %swap3A_174 = vector.shape_cast %mul3A_169 : vector<16xf32> to vector<1x16xf32>
        tpu.vector_store %arg12[%swap3A_170, %swap3A_171], %swap3A_174 {strides = array<i32>} : memref<128x128xf32, #tpu.memory_space<vmem>>, vector<1x16xf32>,
      }
      %scan3A_59 = arith.constant 128 : i32
      "tpu.region"() ({
        %run_scoped3A = tpu.sem_alloc : memref<!tpu.dma_semaphore, #tpu.memory_space<semaphore_mem>>
        %dma_start3A_60 = arith.constant 0 : i32
        %dma_start3A_61 = arith.constant 0 : i32
        %dma_start3A_62 = tpu.memref_slice %arg8[%dma_start3A_60, %dma_start3A_61] : memref<10240x128xf32, #tpu.memory_space<vmem_shared>> -> memref<10240x128xf32, #tpu.memory_space<vmem_shared>>
        tpu.enqueue_indirect_dma source(%arg12 : memref<128x128xf32, #tpu.memory_space<vmem>>) target(%dma_start3A_62 : memref<10240x128xf32, #tpu.memory_space<vmem_shared>>) offsets(%arg10 : memref<128xi32, #tpu.memory_space<vmem>>) semaphore(%run_scoped3A : memref<!tpu.dma_semaphore, #tpu.memory_space<semaphore_mem>>) {add = true}
        %dma_wait3A_63 = arith.constant 0 : i32
        %dma_wait3A_64 = arith.constant 0 : i32
        %dma_wait3A_65 = tpu.memref_slice %arg8[%dma_wait3A_63, %dma_wait3A_64] : memref<10240x128xf32, #tpu.memory_space<vmem_shared>> -> memref<10240x128xf32, #tpu.memory_space<vmem_shared>>
        tpu.wait_indirect_dma semaphore(%run_scoped3A : memref<!tpu.dma_semaphore, #tpu.memory_space<semaphore_mem>>) src(%arg12 : memref<128x128xf32, #tpu.memory_space<vmem>>) dst(%dma_wait3A_65 : memref<10240x128xf32, #tpu.memory_space<vmem_shared>>)
        tpu.yield
      }) : () -> ()
    }
    %barrier3A_36 = arith.constant 0 : index
    tpu.barrier barrier_id(%barrier3A_36)
    "tpu.region"() ({
      %run_scoped3A = tpu.sem_alloc : memref<!tpu.dma_semaphore, #tpu.memory_space<semaphore_mem>>
      %dma_start3A = arith.constant 0 : i32
      %dma_start3A_37 = tpu.memref_slice %arg7[%arg0, %mul3A_2, %dma_start3A] : memref<2x10240x128xf32, #tpu.memory_space<hbm>> -> memref<1x640x128xf32, #tpu.memory_space<hbm>>
      %dma_start3A_38 = tpu.memref_squeeze %dma_start3A_37 : memref<1x640x128xf32, #tpu.memory_space<hbm>> -> memref<640x128xf32, #tpu.memory_space<hbm>>
      %dma_start3A_39 = arith.constant 0 : i32
      %dma_start3A_40 = tpu.memref_slice %arg8[%mul3A_2, %dma_start3A_39] : memref<10240x128xf32, #tpu.memory_space<vmem_shared>> -> memref<640x128xf32, #tpu.memory_space<vmem_shared>>
      tpu.enqueue_dma source(%dma_start3A_40 : memref<640x128xf32, #tpu.memory_space<vmem_shared>>) target(%dma_start3A_38 : memref<640x128xf32, #tpu.memory_space<hbm>>) target_semaphore(%run_scoped3A : memref<!tpu.dma_semaphore, #tpu.memory_space<semaphore_mem>>)
      %dma_wait3A = arith.constant 0 : i32
      %dma_wait3A_41 = tpu.memref_slice %arg7[%arg0, %mul3A_2, %dma_wait3A] : memref<2x10240x128xf32, #tpu.memory_space<hbm>> -> memref<1x640x128xf32, #tpu.memory_space<hbm>>
      %dma_wait3A_42 = tpu.memref_squeeze %dma_wait3A_41 : memref<1x640x128xf32, #tpu.memory_space<hbm>> -> memref<640x128xf32, #tpu.memory_space<hbm>>
      %dma_wait3A_43 = arith.constant 0 : i32
      %dma_wait3A_44 = tpu.memref_slice %arg8[%mul3A_2, %dma_wait3A_43] : memref<10240x128xf32, #tpu.memory_space<vmem_shared>> -> memref<640x128xf32, #tpu.memory_space<vmem_shared>>
      tpu.wait_dma2 semaphore(%run_scoped3A : memref<!tpu.dma_semaphore, #tpu.memory_space<semaphore_mem>>) src(%dma_wait3A_44 : memref<640x128xf32, #tpu.memory_space<vmem_shared>>) dst(%dma_wait3A_42 : memref<640x128xf32, #tpu.memory_space<hbm>>)
      tpu.yield
    }) : () -> ()
    return
  }
}

#map = affine_map<(d0, d1) -> (0, 0)>
#map1 = affine_map<(d0, d1) -> (0)>
#map2 = affine_map<(d0, d1) -> (0, 0, 0)>
module attributes {stable_mosaic.version = 14 : i64} {
  func.func @agg(%arg0: i32, %arg1: i32, %arg2: memref<10000x128xf32, #tpu.memory_space<hbm>>, %arg3: memref<320000xi32, #tpu.memory_space<hbm>>, %arg4: memref<320000xi32, #tpu.memory_space<hbm>>, %arg5: memref<320000xi32, #tpu.memory_space<hbm>>, %arg6: memref<16x128xf32, #tpu.memory_space<hbm>>, %arg7: memref<2x10240x128xf32, #tpu.memory_space<hbm>>, %arg8: memref<10240x128xf32, #tpu.memory_space<vmem_shared>>, %arg9: memref<128xi32, #tpu.memory_space<vmem>>, %arg10: memref<128xi32, #tpu.memory_space<vmem>>, %arg11: memref<128xi32, #tpu.memory_space<vmem>>, %arg12: memref<128x128xf32, #tpu.memory_space<vmem>>, %arg13: memref<128x128xf32, #tpu.memory_space<vmem>>, %arg14: memref<!tpu.dma_semaphore, #tpu.memory_space<semaphore_mem>>, %arg15: memref<!tpu.dma_semaphore, #tpu.memory_space<semaphore_mem>>) attributes {dimension_semantics = [#tpu.dimension_semantics<core_parallel>, #tpu.dimension_semantics<subcore_parallel>], iteration_bounds = array<i64: 2, 16>, scalar_prefetch = 0 : i64, scratch_operands = 8 : i64, tpu.core_type = #tpu.core_type<sc_vector_subcore>, window_params = [{transform_indices = #map}, {transform_indices = #map1}, {transform_indices = #map1}, {transform_indices = #map1}, {transform_indices = #map}, {transform_indices = #map2}]} {
    %mul3A = arith.constant 2 : i32
    %mul3A_0 = arith.muli %arg1, %mul3A : i32
    %add3A = arith.addi %mul3A_0, %arg0 : i32
    %mul3A_1 = arith.constant 640 : i32
    %mul3A_2 = arith.muli %arg1, %mul3A_1 : i32
    %broadcast_in_dim3A = arith.constant 0.000000e+00 : f32
    %broadcast_in_dim3A_3 = vector.broadcast %broadcast_in_dim3A : f32 to vector<16xf32>
    %scan3A = arith.constant 0 : i32
    %scan3A_4 = arith.constant 128 : i32
    %scan3A_5 = arith.addi %scan3A, %scan3A_4 : i32
    %scan3A_6 = arith.constant 1 : i32
    scf.for %scan3A_37 = %scan3A to %scan3A_5 step %scan3A_6  : i32 {
      %mul3A_38 = arith.constant 1 : i32
      %mul3A_39 = arith.muli %scan3A_37, %mul3A_38 : i32
      %add3A_40 = arith.constant 0 : i32
      %add3A_41 = arith.addi %add3A_40, %mul3A_39 : i32
      %swap3A = arith.index_cast %add3A_41 : i32 to index
      %swap3A_42 = arith.constant 0 : index
      %swap3A_43 = tpu.vector_load %arg12[%swap3A, %swap3A_42] {strides = array<i32>} : memref<128x128xf32, #tpu.memory_space<vmem>>, vector<1x16xf32>,
      %swap3A_44 = vector.shape_cast %swap3A_43 : vector<1x16xf32> to vector<16xf32>
      %swap3A_45 = vector.shape_cast %broadcast_in_dim3A_3 : vector<16xf32> to vector<1x16xf32>
      tpu.vector_store %arg12[%swap3A, %swap3A_42], %swap3A_45 {strides = array<i32>} : memref<128x128xf32, #tpu.memory_space<vmem>>, vector<1x16xf32>,
      %swap3A_46 = arith.index_cast %add3A_41 : i32 to index
      %swap3A_47 = arith.constant 16 : index
      %swap3A_48 = tpu.vector_load %arg12[%swap3A_46, %swap3A_47] {strides = array<i32>} : memref<128x128xf32, #tpu.memory_space<vmem>>, vector<1x16xf32>,
      %swap3A_49 = vector.shape_cast %swap3A_48 : vector<1x16xf32> to vector<16xf32>
      %swap3A_50 = vector.shape_cast %broadcast_in_dim3A_3 : vector<16xf32> to vector<1x16xf32>
      tpu.vector_store %arg12[%swap3A_46, %swap3A_47], %swap3A_50 {strides = array<i32>} : memref<128x128xf32, #tpu.memory_space<vmem>>, vector<1x16xf32>,
      %swap3A_51 = arith.index_cast %add3A_41 : i32 to index
      %swap3A_52 = arith.constant 32 : index
      %swap3A_53 = tpu.vector_load %arg12[%swap3A_51, %swap3A_52] {strides = array<i32>} : memref<128x128xf32, #tpu.memory_space<vmem>>, vector<1x16xf32>,
      %swap3A_54 = vector.shape_cast %swap3A_53 : vector<1x16xf32> to vector<16xf32>
      %swap3A_55 = vector.shape_cast %broadcast_in_dim3A_3 : vector<16xf32> to vector<1x16xf32>
      tpu.vector_store %arg12[%swap3A_51, %swap3A_52], %swap3A_55 {strides = array<i32>} : memref<128x128xf32, #tpu.memory_space<vmem>>, vector<1x16xf32>,
      %swap3A_56 = arith.index_cast %add3A_41 : i32 to index
      %swap3A_57 = arith.constant 48 : index
      %swap3A_58 = tpu.vector_load %arg12[%swap3A_56, %swap3A_57] {strides = array<i32>} : memref<128x128xf32, #tpu.memory_space<vmem>>, vector<1x16xf32>,
      %swap3A_59 = vector.shape_cast %swap3A_58 : vector<1x16xf32> to vector<16xf32>
      %swap3A_60 = vector.shape_cast %broadcast_in_dim3A_3 : vector<16xf32> to vector<1x16xf32>
      tpu.vector_store %arg12[%swap3A_56, %swap3A_57], %swap3A_60 {strides = array<i32>} : memref<128x128xf32, #tpu.memory_space<vmem>>, vector<1x16xf32>,
      %swap3A_61 = arith.index_cast %add3A_41 : i32 to index
      %swap3A_62 = arith.constant 64 : index
      %swap3A_63 = tpu.vector_load %arg12[%swap3A_61, %swap3A_62] {strides = array<i32>} : memref<128x128xf32, #tpu.memory_space<vmem>>, vector<1x16xf32>,
      %swap3A_64 = vector.shape_cast %swap3A_63 : vector<1x16xf32> to vector<16xf32>
      %swap3A_65 = vector.shape_cast %broadcast_in_dim3A_3 : vector<16xf32> to vector<1x16xf32>
      tpu.vector_store %arg12[%swap3A_61, %swap3A_62], %swap3A_65 {strides = array<i32>} : memref<128x128xf32, #tpu.memory_space<vmem>>, vector<1x16xf32>,
      %swap3A_66 = arith.index_cast %add3A_41 : i32 to index
      %swap3A_67 = arith.constant 80 : index
      %swap3A_68 = tpu.vector_load %arg12[%swap3A_66, %swap3A_67] {strides = array<i32>} : memref<128x128xf32, #tpu.memory_space<vmem>>, vector<1x16xf32>,
      %swap3A_69 = vector.shape_cast %swap3A_68 : vector<1x16xf32> to vector<16xf32>
      %swap3A_70 = vector.shape_cast %broadcast_in_dim3A_3 : vector<16xf32> to vector<1x16xf32>
      tpu.vector_store %arg12[%swap3A_66, %swap3A_67], %swap3A_70 {strides = array<i32>} : memref<128x128xf32, #tpu.memory_space<vmem>>, vector<1x16xf32>,
      %swap3A_71 = arith.index_cast %add3A_41 : i32 to index
      %swap3A_72 = arith.constant 96 : index
      %swap3A_73 = tpu.vector_load %arg12[%swap3A_71, %swap3A_72] {strides = array<i32>} : memref<128x128xf32, #tpu.memory_space<vmem>>, vector<1x16xf32>,
      %swap3A_74 = vector.shape_cast %swap3A_73 : vector<1x16xf32> to vector<16xf32>
      %swap3A_75 = vector.shape_cast %broadcast_in_dim3A_3 : vector<16xf32> to vector<1x16xf32>
      tpu.vector_store %arg12[%swap3A_71, %swap3A_72], %swap3A_75 {strides = array<i32>} : memref<128x128xf32, #tpu.memory_space<vmem>>, vector<1x16xf32>,
      %swap3A_76 = arith.index_cast %add3A_41 : i32 to index
      %swap3A_77 = arith.constant 112 : index
      %swap3A_78 = tpu.vector_load %arg12[%swap3A_76, %swap3A_77] {strides = array<i32>} : memref<128x128xf32, #tpu.memory_space<vmem>>, vector<1x16xf32>,
      %swap3A_79 = vector.shape_cast %swap3A_78 : vector<1x16xf32> to vector<16xf32>
      %swap3A_80 = vector.shape_cast %broadcast_in_dim3A_3 : vector<16xf32> to vector<1x16xf32>
      tpu.vector_store %arg12[%swap3A_76, %swap3A_77], %swap3A_80 {strides = array<i32>} : memref<128x128xf32, #tpu.memory_space<vmem>>, vector<1x16xf32>,
    }
    %scan3A_7 = arith.constant 128 : i32
    %add3A_8 = arith.constant 0 : i32
    %add3A_9 = arith.addi %mul3A_2, %add3A_8 : i32
    "tpu.region"() ({
      %run_scoped3A = tpu.sem_alloc : memref<!tpu.dma_semaphore, #tpu.memory_space<semaphore_mem>>
      %dma_start3A = arith.constant 0 : i32
      %dma_start3A_37 = tpu.memref_slice %arg8[%add3A_9, %dma_start3A] : memref<10240x128xf32, #tpu.memory_space<vmem_shared>> -> memref<128x128xf32, #tpu.memory_space<vmem_shared>>
      %dma_start3A_38 = arith.constant 0 : i32
      %dma_start3A_39 = tpu.memref_slice %arg8[%add3A_9, %dma_start3A_38] : memref<10240x128xf32, #tpu.memory_space<vmem_shared>> -> memref<128x128xf32, #tpu.memory_space<vmem_shared>>
      tpu.enqueue_dma source(%arg12 : memref<128x128xf32, #tpu.memory_space<vmem>>) target(%dma_start3A_39 : memref<128x128xf32, #tpu.memory_space<vmem_shared>>) target_semaphore(%run_scoped3A : memref<!tpu.dma_semaphore, #tpu.memory_space<semaphore_mem>>)
      %dma_wait3A = arith.constant 0 : i32
      %dma_wait3A_40 = tpu.memref_slice %arg8[%add3A_9, %dma_wait3A] : memref<10240x128xf32, #tpu.memory_space<vmem_shared>> -> memref<128x128xf32, #tpu.memory_space<vmem_shared>>
      %dma_wait3A_41 = arith.constant 0 : i32
      %dma_wait3A_42 = tpu.memref_slice %arg8[%add3A_9, %dma_wait3A_41] : memref<10240x128xf32, #tpu.memory_space<vmem_shared>> -> memref<128x128xf32, #tpu.memory_space<vmem_shared>>
      tpu.wait_dma2 semaphore(%run_scoped3A : memref<!tpu.dma_semaphore, #tpu.memory_space<semaphore_mem>>) src(%arg12 : memref<128x128xf32, #tpu.memory_space<vmem>>) dst(%dma_wait3A_42 : memref<128x128xf32, #tpu.memory_space<vmem_shared>>)
      tpu.yield
    }) : () -> ()
    %add3A_10 = arith.constant 128 : i32
    %add3A_11 = arith.addi %mul3A_2, %add3A_10 : i32
    "tpu.region"() ({
      %run_scoped3A = tpu.sem_alloc : memref<!tpu.dma_semaphore, #tpu.memory_space<semaphore_mem>>
      %dma_start3A = arith.constant 0 : i32
      %dma_start3A_37 = tpu.memref_slice %arg8[%add3A_11, %dma_start3A] : memref<10240x128xf32, #tpu.memory_space<vmem_shared>> -> memref<128x128xf32, #tpu.memory_space<vmem_shared>>
      %dma_start3A_38 = arith.constant 0 : i32
      %dma_start3A_39 = tpu.memref_slice %arg8[%add3A_11, %dma_start3A_38] : memref<10240x128xf32, #tpu.memory_space<vmem_shared>> -> memref<128x128xf32, #tpu.memory_space<vmem_shared>>
      tpu.enqueue_dma source(%arg12 : memref<128x128xf32, #tpu.memory_space<vmem>>) target(%dma_start3A_39 : memref<128x128xf32, #tpu.memory_space<vmem_shared>>) target_semaphore(%run_scoped3A : memref<!tpu.dma_semaphore, #tpu.memory_space<semaphore_mem>>)
      %dma_wait3A = arith.constant 0 : i32
      %dma_wait3A_40 = tpu.memref_slice %arg8[%add3A_11, %dma_wait3A] : memref<10240x128xf32, #tpu.memory_space<vmem_shared>> -> memref<128x128xf32, #tpu.memory_space<vmem_shared>>
      %dma_wait3A_41 = arith.constant 0 : i32
      %dma_wait3A_42 = tpu.memref_slice %arg8[%add3A_11, %dma_wait3A_41] : memref<10240x128xf32, #tpu.memory_space<vmem_shared>> -> memref<128x128xf32, #tpu.memory_space<vmem_shared>>
      tpu.wait_dma2 semaphore(%run_scoped3A : memref<!tpu.dma_semaphore, #tpu.memory_space<semaphore_mem>>) src(%arg12 : memref<128x128xf32, #tpu.memory_space<vmem>>) dst(%dma_wait3A_42 : memref<128x128xf32, #tpu.memory_space<vmem_shared>>)
      tpu.yield
    }) : () -> ()
    %add3A_12 = arith.constant 256 : i32
    %add3A_13 = arith.addi %mul3A_2, %add3A_12 : i32
    "tpu.region"() ({
      %run_scoped3A = tpu.sem_alloc : memref<!tpu.dma_semaphore, #tpu.memory_space<semaphore_mem>>
      %dma_start3A = arith.constant 0 : i32
      %dma_start3A_37 = tpu.memref_slice %arg8[%add3A_13, %dma_start3A] : memref<10240x128xf32, #tpu.memory_space<vmem_shared>> -> memref<128x128xf32, #tpu.memory_space<vmem_shared>>
      %dma_start3A_38 = arith.constant 0 : i32
      %dma_start3A_39 = tpu.memref_slice %arg8[%add3A_13, %dma_start3A_38] : memref<10240x128xf32, #tpu.memory_space<vmem_shared>> -> memref<128x128xf32, #tpu.memory_space<vmem_shared>>
      tpu.enqueue_dma source(%arg12 : memref<128x128xf32, #tpu.memory_space<vmem>>) target(%dma_start3A_39 : memref<128x128xf32, #tpu.memory_space<vmem_shared>>) target_semaphore(%run_scoped3A : memref<!tpu.dma_semaphore, #tpu.memory_space<semaphore_mem>>)
      %dma_wait3A = arith.constant 0 : i32
      %dma_wait3A_40 = tpu.memref_slice %arg8[%add3A_13, %dma_wait3A] : memref<10240x128xf32, #tpu.memory_space<vmem_shared>> -> memref<128x128xf32, #tpu.memory_space<vmem_shared>>
      %dma_wait3A_41 = arith.constant 0 : i32
      %dma_wait3A_42 = tpu.memref_slice %arg8[%add3A_13, %dma_wait3A_41] : memref<10240x128xf32, #tpu.memory_space<vmem_shared>> -> memref<128x128xf32, #tpu.memory_space<vmem_shared>>
      tpu.wait_dma2 semaphore(%run_scoped3A : memref<!tpu.dma_semaphore, #tpu.memory_space<semaphore_mem>>) src(%arg12 : memref<128x128xf32, #tpu.memory_space<vmem>>) dst(%dma_wait3A_42 : memref<128x128xf32, #tpu.memory_space<vmem_shared>>)
      tpu.yield
    }) : () -> ()
    %add3A_14 = arith.constant 384 : i32
    %add3A_15 = arith.addi %mul3A_2, %add3A_14 : i32
    "tpu.region"() ({
      %run_scoped3A = tpu.sem_alloc : memref<!tpu.dma_semaphore, #tpu.memory_space<semaphore_mem>>
      %dma_start3A = arith.constant 0 : i32
      %dma_start3A_37 = tpu.memref_slice %arg8[%add3A_15, %dma_start3A] : memref<10240x128xf32, #tpu.memory_space<vmem_shared>> -> memref<128x128xf32, #tpu.memory_space<vmem_shared>>
      %dma_start3A_38 = arith.constant 0 : i32
      %dma_start3A_39 = tpu.memref_slice %arg8[%add3A_15, %dma_start3A_38] : memref<10240x128xf32, #tpu.memory_space<vmem_shared>> -> memref<128x128xf32, #tpu.memory_space<vmem_shared>>
      tpu.enqueue_dma source(%arg12 : memref<128x128xf32, #tpu.memory_space<vmem>>) target(%dma_start3A_39 : memref<128x128xf32, #tpu.memory_space<vmem_shared>>) target_semaphore(%run_scoped3A : memref<!tpu.dma_semaphore, #tpu.memory_space<semaphore_mem>>)
      %dma_wait3A = arith.constant 0 : i32
      %dma_wait3A_40 = tpu.memref_slice %arg8[%add3A_15, %dma_wait3A] : memref<10240x128xf32, #tpu.memory_space<vmem_shared>> -> memref<128x128xf32, #tpu.memory_space<vmem_shared>>
      %dma_wait3A_41 = arith.constant 0 : i32
      %dma_wait3A_42 = tpu.memref_slice %arg8[%add3A_15, %dma_wait3A_41] : memref<10240x128xf32, #tpu.memory_space<vmem_shared>> -> memref<128x128xf32, #tpu.memory_space<vmem_shared>>
      tpu.wait_dma2 semaphore(%run_scoped3A : memref<!tpu.dma_semaphore, #tpu.memory_space<semaphore_mem>>) src(%arg12 : memref<128x128xf32, #tpu.memory_space<vmem>>) dst(%dma_wait3A_42 : memref<128x128xf32, #tpu.memory_space<vmem_shared>>)
      tpu.yield
    }) : () -> ()
    %add3A_16 = arith.constant 512 : i32
    %add3A_17 = arith.addi %mul3A_2, %add3A_16 : i32
    "tpu.region"() ({
      %run_scoped3A = tpu.sem_alloc : memref<!tpu.dma_semaphore, #tpu.memory_space<semaphore_mem>>
      %dma_start3A = arith.constant 0 : i32
      %dma_start3A_37 = tpu.memref_slice %arg8[%add3A_17, %dma_start3A] : memref<10240x128xf32, #tpu.memory_space<vmem_shared>> -> memref<128x128xf32, #tpu.memory_space<vmem_shared>>
      %dma_start3A_38 = arith.constant 0 : i32
      %dma_start3A_39 = tpu.memref_slice %arg8[%add3A_17, %dma_start3A_38] : memref<10240x128xf32, #tpu.memory_space<vmem_shared>> -> memref<128x128xf32, #tpu.memory_space<vmem_shared>>
      tpu.enqueue_dma source(%arg12 : memref<128x128xf32, #tpu.memory_space<vmem>>) target(%dma_start3A_39 : memref<128x128xf32, #tpu.memory_space<vmem_shared>>) target_semaphore(%run_scoped3A : memref<!tpu.dma_semaphore, #tpu.memory_space<semaphore_mem>>)
      %dma_wait3A = arith.constant 0 : i32
      %dma_wait3A_40 = tpu.memref_slice %arg8[%add3A_17, %dma_wait3A] : memref<10240x128xf32, #tpu.memory_space<vmem_shared>> -> memref<128x128xf32, #tpu.memory_space<vmem_shared>>
      %dma_wait3A_41 = arith.constant 0 : i32
      %dma_wait3A_42 = tpu.memref_slice %arg8[%add3A_17, %dma_wait3A_41] : memref<10240x128xf32, #tpu.memory_space<vmem_shared>> -> memref<128x128xf32, #tpu.memory_space<vmem_shared>>
      tpu.wait_dma2 semaphore(%run_scoped3A : memref<!tpu.dma_semaphore, #tpu.memory_space<semaphore_mem>>) src(%arg12 : memref<128x128xf32, #tpu.memory_space<vmem>>) dst(%dma_wait3A_42 : memref<128x128xf32, #tpu.memory_space<vmem_shared>>)
      tpu.yield
    }) : () -> ()
    %barrier3A = arith.constant 0 : index
    tpu.barrier barrier_id(%barrier3A)
    %lt3A = arith.constant 4 : i32
    %lt3A_18 = arith.cmpi slt, %add3A, %lt3A : i32
    %jit3A = arith.constant 79 : i32
    %jit3A_19 = arith.constant 78 : i32
    %select_n3A = arith.select %lt3A_18, %jit3A, %jit3A_19 : i32
    %sub3A = arith.constant 0 : i32
    %sub3A_20 = arith.subi %select_n3A, %sub3A : i32
    %sub3A_21 = arith.constant 1 : i32
    %sub3A_22 = arith.constant 1 : i32
    %sub3A_23 = arith.subi %sub3A_21, %sub3A_22 : i32
    %add3A_24 = arith.addi %sub3A_20, %sub3A_23 : i32
    %div3A = arith.constant 1 : i32
    %div3A_25 = arith.divsi %add3A_24, %div3A : i32
    %while3A = arith.constant 1 : i32
    %while3A_26 = arith.constant 0 : i32
    %while3A_27 = arith.constant 0 : i32
    %while3A_28 = arith.subi %div3A_25, %while3A_27 : i32
    %while3A_29 = arith.addi %while3A_27, %while3A_28 : i32
    %while3A_30 = arith.constant 1 : i32
    %while3A_31 = arith.divsi %while3A_28, %while3A_30 : i32
    %while3A_32 = arith.muli %while3A_31, %while3A_30 : i32
    %while3A_33 = arith.addi %while3A_27, %while3A_32 : i32
    %while3A_34 = arith.constant 1 : i32
    scf.for %while3A_37 = %while3A_27 to %while3A_33 step %while3A_34  : i32 {
      %mul3A_38 = arith.muli %while3A_37, %while3A : i32
      %add3A_39 = arith.addi %while3A_26, %mul3A_38 : i32
      %mul3A_40 = arith.constant 32 : i32
      %mul3A_41 = arith.muli %add3A_39, %mul3A_40 : i32
      %add3A_42 = arith.addi %add3A, %mul3A_41 : i32
      %mul3A_43 = arith.constant 128 : i32
      %mul3A_44 = arith.muli %add3A_42, %mul3A_43 : i32
      "tpu.region"() ({
        %run_scoped3A = tpu.sem_alloc : memref<!tpu.dma_semaphore, #tpu.memory_space<semaphore_mem>>
        %dma_start3A_60 = tpu.memref_slice %arg4[%mul3A_44] : memref<320000xi32, #tpu.memory_space<hbm>> -> memref<128xi32, #tpu.memory_space<hbm>>
        %dma_start3A_61 = tpu.memref_slice %arg4[%mul3A_44] : memref<320000xi32, #tpu.memory_space<hbm>> -> memref<128xi32, #tpu.memory_space<hbm>>
        tpu.enqueue_dma source(%dma_start3A_61 : memref<128xi32, #tpu.memory_space<hbm>>) target(%arg9 : memref<128xi32, #tpu.memory_space<vmem>>) target_semaphore(%run_scoped3A : memref<!tpu.dma_semaphore, #tpu.memory_space<semaphore_mem>>)
        %dma_wait3A_62 = tpu.memref_slice %arg4[%mul3A_44] : memref<320000xi32, #tpu.memory_space<hbm>> -> memref<128xi32, #tpu.memory_space<hbm>>
        %dma_wait3A_63 = tpu.memref_slice %arg4[%mul3A_44] : memref<320000xi32, #tpu.memory_space<hbm>> -> memref<128xi32, #tpu.memory_space<hbm>>
        tpu.wait_dma2 semaphore(%run_scoped3A : memref<!tpu.dma_semaphore, #tpu.memory_space<semaphore_mem>>) src(%dma_wait3A_63 : memref<128xi32, #tpu.memory_space<hbm>>) dst(%arg9 : memref<128xi32, #tpu.memory_space<vmem>>)
        tpu.yield
      }) : () -> ()
      "tpu.region"() ({
        %run_scoped3A = tpu.sem_alloc : memref<!tpu.dma_semaphore, #tpu.memory_space<semaphore_mem>>
        %dma_start3A_60 = tpu.memref_slice %arg5[%mul3A_44] : memref<320000xi32, #tpu.memory_space<hbm>> -> memref<128xi32, #tpu.memory_space<hbm>>
        %dma_start3A_61 = tpu.memref_slice %arg5[%mul3A_44] : memref<320000xi32, #tpu.memory_space<hbm>> -> memref<128xi32, #tpu.memory_space<hbm>>
        tpu.enqueue_dma source(%dma_start3A_61 : memref<128xi32, #tpu.memory_space<hbm>>) target(%arg11 : memref<128xi32, #tpu.memory_space<vmem>>) target_semaphore(%run_scoped3A : memref<!tpu.dma_semaphore, #tpu.memory_space<semaphore_mem>>)
        %dma_wait3A_62 = tpu.memref_slice %arg5[%mul3A_44] : memref<320000xi32, #tpu.memory_space<hbm>> -> memref<128xi32, #tpu.memory_space<hbm>>
        %dma_wait3A_63 = tpu.memref_slice %arg5[%mul3A_44] : memref<320000xi32, #tpu.memory_space<hbm>> -> memref<128xi32, #tpu.memory_space<hbm>>
        tpu.wait_dma2 semaphore(%run_scoped3A : memref<!tpu.dma_semaphore, #tpu.memory_space<semaphore_mem>>) src(%dma_wait3A_63 : memref<128xi32, #tpu.memory_space<hbm>>) dst(%arg11 : memref<128xi32, #tpu.memory_space<vmem>>)
        tpu.yield
      }) : () -> ()
      "tpu.region"() ({
        %run_scoped3A = tpu.sem_alloc : memref<!tpu.dma_semaphore, #tpu.memory_space<semaphore_mem>>
        %dma_start3A_60 = tpu.memref_slice %arg3[%mul3A_44] : memref<320000xi32, #tpu.memory_space<hbm>> -> memref<128xi32, #tpu.memory_space<hbm>>
        %dma_start3A_61 = tpu.memref_slice %arg3[%mul3A_44] : memref<320000xi32, #tpu.memory_space<hbm>> -> memref<128xi32, #tpu.memory_space<hbm>>
        tpu.enqueue_dma source(%dma_start3A_61 : memref<128xi32, #tpu.memory_space<hbm>>) target(%arg10 : memref<128xi32, #tpu.memory_space<vmem>>) target_semaphore(%run_scoped3A : memref<!tpu.dma_semaphore, #tpu.memory_space<semaphore_mem>>)
        %dma_wait3A_62 = tpu.memref_slice %arg3[%mul3A_44] : memref<320000xi32, #tpu.memory_space<hbm>> -> memref<128xi32, #tpu.memory_space<hbm>>
        %dma_wait3A_63 = tpu.memref_slice %arg3[%mul3A_44] : memref<320000xi32, #tpu.memory_space<hbm>> -> memref<128xi32, #tpu.memory_space<hbm>>
        tpu.wait_dma2 semaphore(%run_scoped3A : memref<!tpu.dma_semaphore, #tpu.memory_space<semaphore_mem>>) src(%dma_wait3A_63 : memref<128xi32, #tpu.memory_space<hbm>>) dst(%arg10 : memref<128xi32, #tpu.memory_space<vmem>>)
        tpu.yield
      }) : () -> ()
      %dma_start3A = arith.constant 0 : i32
      %dma_start3A_45 = arith.constant 0 : i32
      %dma_start3A_46 = tpu.memref_slice %arg2[%dma_start3A, %dma_start3A_45] : memref<10000x128xf32, #tpu.memory_space<hbm>> -> memref<10000x128xf32, #tpu.memory_space<hbm>>
      tpu.enqueue_indirect_dma source(%dma_start3A_46 : memref<10000x128xf32, #tpu.memory_space<hbm>>) target(%arg12 : memref<128x128xf32, #tpu.memory_space<vmem>>) offsets(%arg9 : memref<128xi32, #tpu.memory_space<vmem>>) semaphore(%arg14 : memref<!tpu.dma_semaphore, #tpu.memory_space<semaphore_mem>>)
      %dma_start3A_47 = arith.constant 0 : i32
      %dma_start3A_48 = arith.constant 0 : i32
      %dma_start3A_49 = tpu.memref_slice %arg6[%dma_start3A_47, %dma_start3A_48] : memref<16x128xf32, #tpu.memory_space<hbm>> -> memref<16x128xf32, #tpu.memory_space<hbm>>
      tpu.enqueue_indirect_dma source(%dma_start3A_49 : memref<16x128xf32, #tpu.memory_space<hbm>>) target(%arg13 : memref<128x128xf32, #tpu.memory_space<vmem>>) offsets(%arg11 : memref<128xi32, #tpu.memory_space<vmem>>) semaphore(%arg15 : memref<!tpu.dma_semaphore, #tpu.memory_space<semaphore_mem>>)
      %dma_wait3A = arith.constant 0 : i32
      %dma_wait3A_50 = arith.constant 0 : i32
      %dma_wait3A_51 = tpu.memref_slice %arg2[%dma_wait3A, %dma_wait3A_50] : memref<10000x128xf32, #tpu.memory_space<hbm>> -> memref<10000x128xf32, #tpu.memory_space<hbm>>
      tpu.wait_indirect_dma semaphore(%arg14 : memref<!tpu.dma_semaphore, #tpu.memory_space<semaphore_mem>>) src(%dma_wait3A_51 : memref<10000x128xf32, #tpu.memory_space<hbm>>) dst(%arg12 : memref<128x128xf32, #tpu.memory_space<vmem>>)
      %dma_wait3A_52 = arith.constant 0 : i32
      %dma_wait3A_53 = arith.constant 0 : i32
      %dma_wait3A_54 = tpu.memref_slice %arg6[%dma_wait3A_52, %dma_wait3A_53] : memref<16x128xf32, #tpu.memory_space<hbm>> -> memref<16x128xf32, #tpu.memory_space<hbm>>
      tpu.wait_indirect_dma semaphore(%arg15 : memref<!tpu.dma_semaphore, #tpu.memory_space<semaphore_mem>>) src(%dma_wait3A_54 : memref<16x128xf32, #tpu.memory_space<hbm>>) dst(%arg13 : memref<128x128xf32, #tpu.memory_space<vmem>>)
      %scan3A_55 = arith.constant 0 : i32
      %scan3A_56 = arith.constant 128 : i32
      %scan3A_57 = arith.addi %scan3A_55, %scan3A_56 : i32
      %scan3A_58 = arith.constant 1 : i32
      scf.for %scan3A_60 = %scan3A_55 to %scan3A_57 step %scan3A_58  : i32 {
        %mul3A_61 = arith.constant 1 : i32
        %mul3A_62 = arith.muli %scan3A_60, %mul3A_61 : i32
        %add3A_63 = arith.constant 0 : i32
        %add3A_64 = arith.addi %add3A_63, %mul3A_62 : i32
        %get3A = arith.index_cast %add3A_64 : i32 to index
        %get3A_65 = arith.constant 0 : index
        %get3A_66 = tpu.vector_load %arg12[%get3A, %get3A_65] {strides = array<i32>} : memref<128x128xf32, #tpu.memory_space<vmem>>, vector<1x16xf32>,
        %get3A_67 = vector.shape_cast %get3A_66 : vector<1x16xf32> to vector<16xf32>
        %get3A_68 = arith.index_cast %add3A_64 : i32 to index
        %get3A_69 = arith.constant 0 : index
        %get3A_70 = tpu.vector_load %arg13[%get3A_68, %get3A_69] {strides = array<i32>} : memref<128x128xf32, #tpu.memory_space<vmem>>, vector<1x16xf32>,
        %get3A_71 = vector.shape_cast %get3A_70 : vector<1x16xf32> to vector<16xf32>
        %mul3A_72 = arith.mulf %get3A_67, %get3A_71 : vector<16xf32>
        %swap3A = arith.index_cast %add3A_64 : i32 to index
        %swap3A_73 = arith.constant 0 : index
        %swap3A_74 = tpu.vector_load %arg12[%swap3A, %swap3A_73] {strides = array<i32>} : memref<128x128xf32, #tpu.memory_space<vmem>>, vector<1x16xf32>,
        %swap3A_75 = vector.shape_cast %swap3A_74 : vector<1x16xf32> to vector<16xf32>
        %swap3A_76 = vector.shape_cast %mul3A_72 : vector<16xf32> to vector<1x16xf32>
        tpu.vector_store %arg12[%swap3A, %swap3A_73], %swap3A_76 {strides = array<i32>} : memref<128x128xf32, #tpu.memory_space<vmem>>, vector<1x16xf32>,
        %get3A_77 = arith.index_cast %add3A_64 : i32 to index
        %get3A_78 = arith.constant 16 : index
        %get3A_79 = tpu.vector_load %arg12[%get3A_77, %get3A_78] {strides = array<i32>} : memref<128x128xf32, #tpu.memory_space<vmem>>, vector<1x16xf32>,
        %get3A_80 = vector.shape_cast %get3A_79 : vector<1x16xf32> to vector<16xf32>
        %get3A_81 = arith.index_cast %add3A_64 : i32 to index
        %get3A_82 = arith.constant 16 : index
        %get3A_83 = tpu.vector_load %arg13[%get3A_81, %get3A_82] {strides = array<i32>} : memref<128x128xf32, #tpu.memory_space<vmem>>, vector<1x16xf32>,
        %get3A_84 = vector.shape_cast %get3A_83 : vector<1x16xf32> to vector<16xf32>
        %mul3A_85 = arith.mulf %get3A_80, %get3A_84 : vector<16xf32>
        %swap3A_86 = arith.index_cast %add3A_64 : i32 to index
        %swap3A_87 = arith.constant 16 : index
        %swap3A_88 = tpu.vector_load %arg12[%swap3A_86, %swap3A_87] {strides = array<i32>} : memref<128x128xf32, #tpu.memory_space<vmem>>, vector<1x16xf32>,
        %swap3A_89 = vector.shape_cast %swap3A_88 : vector<1x16xf32> to vector<16xf32>
        %swap3A_90 = vector.shape_cast %mul3A_85 : vector<16xf32> to vector<1x16xf32>
        tpu.vector_store %arg12[%swap3A_86, %swap3A_87], %swap3A_90 {strides = array<i32>} : memref<128x128xf32, #tpu.memory_space<vmem>>, vector<1x16xf32>,
        %get3A_91 = arith.index_cast %add3A_64 : i32 to index
        %get3A_92 = arith.constant 32 : index
        %get3A_93 = tpu.vector_load %arg12[%get3A_91, %get3A_92] {strides = array<i32>} : memref<128x128xf32, #tpu.memory_space<vmem>>, vector<1x16xf32>,
        %get3A_94 = vector.shape_cast %get3A_93 : vector<1x16xf32> to vector<16xf32>
        %get3A_95 = arith.index_cast %add3A_64 : i32 to index
        %get3A_96 = arith.constant 32 : index
        %get3A_97 = tpu.vector_load %arg13[%get3A_95, %get3A_96] {strides = array<i32>} : memref<128x128xf32, #tpu.memory_space<vmem>>, vector<1x16xf32>,
        %get3A_98 = vector.shape_cast %get3A_97 : vector<1x16xf32> to vector<16xf32>
        %mul3A_99 = arith.mulf %get3A_94, %get3A_98 : vector<16xf32>
        %swap3A_100 = arith.index_cast %add3A_64 : i32 to index
        %swap3A_101 = arith.constant 32 : index
        %swap3A_102 = tpu.vector_load %arg12[%swap3A_100, %swap3A_101] {strides = array<i32>} : memref<128x128xf32, #tpu.memory_space<vmem>>, vector<1x16xf32>,
        %swap3A_103 = vector.shape_cast %swap3A_102 : vector<1x16xf32> to vector<16xf32>
        %swap3A_104 = vector.shape_cast %mul3A_99 : vector<16xf32> to vector<1x16xf32>
        tpu.vector_store %arg12[%swap3A_100, %swap3A_101], %swap3A_104 {strides = array<i32>} : memref<128x128xf32, #tpu.memory_space<vmem>>, vector<1x16xf32>,
        %get3A_105 = arith.index_cast %add3A_64 : i32 to index
        %get3A_106 = arith.constant 48 : index
        %get3A_107 = tpu.vector_load %arg12[%get3A_105, %get3A_106] {strides = array<i32>} : memref<128x128xf32, #tpu.memory_space<vmem>>, vector<1x16xf32>,
        %get3A_108 = vector.shape_cast %get3A_107 : vector<1x16xf32> to vector<16xf32>
        %get3A_109 = arith.index_cast %add3A_64 : i32 to index
        %get3A_110 = arith.constant 48 : index
        %get3A_111 = tpu.vector_load %arg13[%get3A_109, %get3A_110] {strides = array<i32>} : memref<128x128xf32, #tpu.memory_space<vmem>>, vector<1x16xf32>,
        %get3A_112 = vector.shape_cast %get3A_111 : vector<1x16xf32> to vector<16xf32>
        %mul3A_113 = arith.mulf %get3A_108, %get3A_112 : vector<16xf32>
        %swap3A_114 = arith.index_cast %add3A_64 : i32 to index
        %swap3A_115 = arith.constant 48 : index
        %swap3A_116 = tpu.vector_load %arg12[%swap3A_114, %swap3A_115] {strides = array<i32>} : memref<128x128xf32, #tpu.memory_space<vmem>>, vector<1x16xf32>,
        %swap3A_117 = vector.shape_cast %swap3A_116 : vector<1x16xf32> to vector<16xf32>
        %swap3A_118 = vector.shape_cast %mul3A_113 : vector<16xf32> to vector<1x16xf32>
        tpu.vector_store %arg12[%swap3A_114, %swap3A_115], %swap3A_118 {strides = array<i32>} : memref<128x128xf32, #tpu.memory_space<vmem>>, vector<1x16xf32>,
        %get3A_119 = arith.index_cast %add3A_64 : i32 to index
        %get3A_120 = arith.constant 64 : index
        %get3A_121 = tpu.vector_load %arg12[%get3A_119, %get3A_120] {strides = array<i32>} : memref<128x128xf32, #tpu.memory_space<vmem>>, vector<1x16xf32>,
        %get3A_122 = vector.shape_cast %get3A_121 : vector<1x16xf32> to vector<16xf32>
        %get3A_123 = arith.index_cast %add3A_64 : i32 to index
        %get3A_124 = arith.constant 64 : index
        %get3A_125 = tpu.vector_load %arg13[%get3A_123, %get3A_124] {strides = array<i32>} : memref<128x128xf32, #tpu.memory_space<vmem>>, vector<1x16xf32>,
        %get3A_126 = vector.shape_cast %get3A_125 : vector<1x16xf32> to vector<16xf32>
        %mul3A_127 = arith.mulf %get3A_122, %get3A_126 : vector<16xf32>
        %swap3A_128 = arith.index_cast %add3A_64 : i32 to index
        %swap3A_129 = arith.constant 64 : index
        %swap3A_130 = tpu.vector_load %arg12[%swap3A_128, %swap3A_129] {strides = array<i32>} : memref<128x128xf32, #tpu.memory_space<vmem>>, vector<1x16xf32>,
        %swap3A_131 = vector.shape_cast %swap3A_130 : vector<1x16xf32> to vector<16xf32>
        %swap3A_132 = vector.shape_cast %mul3A_127 : vector<16xf32> to vector<1x16xf32>
        tpu.vector_store %arg12[%swap3A_128, %swap3A_129], %swap3A_132 {strides = array<i32>} : memref<128x128xf32, #tpu.memory_space<vmem>>, vector<1x16xf32>,
        %get3A_133 = arith.index_cast %add3A_64 : i32 to index
        %get3A_134 = arith.constant 80 : index
        %get3A_135 = tpu.vector_load %arg12[%get3A_133, %get3A_134] {strides = array<i32>} : memref<128x128xf32, #tpu.memory_space<vmem>>, vector<1x16xf32>,
        %get3A_136 = vector.shape_cast %get3A_135 : vector<1x16xf32> to vector<16xf32>
        %get3A_137 = arith.index_cast %add3A_64 : i32 to index
        %get3A_138 = arith.constant 80 : index
        %get3A_139 = tpu.vector_load %arg13[%get3A_137, %get3A_138] {strides = array<i32>} : memref<128x128xf32, #tpu.memory_space<vmem>>, vector<1x16xf32>,
        %get3A_140 = vector.shape_cast %get3A_139 : vector<1x16xf32> to vector<16xf32>
        %mul3A_141 = arith.mulf %get3A_136, %get3A_140 : vector<16xf32>
        %swap3A_142 = arith.index_cast %add3A_64 : i32 to index
        %swap3A_143 = arith.constant 80 : index
        %swap3A_144 = tpu.vector_load %arg12[%swap3A_142, %swap3A_143] {strides = array<i32>} : memref<128x128xf32, #tpu.memory_space<vmem>>, vector<1x16xf32>,
        %swap3A_145 = vector.shape_cast %swap3A_144 : vector<1x16xf32> to vector<16xf32>
        %swap3A_146 = vector.shape_cast %mul3A_141 : vector<16xf32> to vector<1x16xf32>
        tpu.vector_store %arg12[%swap3A_142, %swap3A_143], %swap3A_146 {strides = array<i32>} : memref<128x128xf32, #tpu.memory_space<vmem>>, vector<1x16xf32>,
        %get3A_147 = arith.index_cast %add3A_64 : i32 to index
        %get3A_148 = arith.constant 96 : index
        %get3A_149 = tpu.vector_load %arg12[%get3A_147, %get3A_148] {strides = array<i32>} : memref<128x128xf32, #tpu.memory_space<vmem>>, vector<1x16xf32>,
        %get3A_150 = vector.shape_cast %get3A_149 : vector<1x16xf32> to vector<16xf32>
        %get3A_151 = arith.index_cast %add3A_64 : i32 to index
        %get3A_152 = arith.constant 96 : index
        %get3A_153 = tpu.vector_load %arg13[%get3A_151, %get3A_152] {strides = array<i32>} : memref<128x128xf32, #tpu.memory_space<vmem>>, vector<1x16xf32>,
        %get3A_154 = vector.shape_cast %get3A_153 : vector<1x16xf32> to vector<16xf32>
        %mul3A_155 = arith.mulf %get3A_150, %get3A_154 : vector<16xf32>
        %swap3A_156 = arith.index_cast %add3A_64 : i32 to index
        %swap3A_157 = arith.constant 96 : index
        %swap3A_158 = tpu.vector_load %arg12[%swap3A_156, %swap3A_157] {strides = array<i32>} : memref<128x128xf32, #tpu.memory_space<vmem>>, vector<1x16xf32>,
        %swap3A_159 = vector.shape_cast %swap3A_158 : vector<1x16xf32> to vector<16xf32>
        %swap3A_160 = vector.shape_cast %mul3A_155 : vector<16xf32> to vector<1x16xf32>
        tpu.vector_store %arg12[%swap3A_156, %swap3A_157], %swap3A_160 {strides = array<i32>} : memref<128x128xf32, #tpu.memory_space<vmem>>, vector<1x16xf32>,
        %get3A_161 = arith.index_cast %add3A_64 : i32 to index
        %get3A_162 = arith.constant 112 : index
        %get3A_163 = tpu.vector_load %arg12[%get3A_161, %get3A_162] {strides = array<i32>} : memref<128x128xf32, #tpu.memory_space<vmem>>, vector<1x16xf32>,
        %get3A_164 = vector.shape_cast %get3A_163 : vector<1x16xf32> to vector<16xf32>
        %get3A_165 = arith.index_cast %add3A_64 : i32 to index
        %get3A_166 = arith.constant 112 : index
        %get3A_167 = tpu.vector_load %arg13[%get3A_165, %get3A_166] {strides = array<i32>} : memref<128x128xf32, #tpu.memory_space<vmem>>, vector<1x16xf32>,
        %get3A_168 = vector.shape_cast %get3A_167 : vector<1x16xf32> to vector<16xf32>
        %mul3A_169 = arith.mulf %get3A_164, %get3A_168 : vector<16xf32>
        %swap3A_170 = arith.index_cast %add3A_64 : i32 to index
        %swap3A_171 = arith.constant 112 : index
        %swap3A_172 = tpu.vector_load %arg12[%swap3A_170, %swap3A_171] {strides = array<i32>} : memref<128x128xf32, #tpu.memory_space<vmem>>, vector<1x16xf32>,
        %swap3A_173 = vector.shape_cast %swap3A_172 : vector<1x16xf32> to vector<16xf32>
        %swap3A_174 = vector.shape_cast %mul3A_169 : vector<16xf32> to vector<1x16xf32>
        tpu.vector_store %arg12[%swap3A_170, %swap3A_171], %swap3A_174 {strides = array<i32>} : memref<128x128xf32, #tpu.memory_space<vmem>>, vector<1x16xf32>,
      }
      %scan3A_59 = arith.constant 128 : i32
      "tpu.region"() ({
        %run_scoped3A = tpu.sem_alloc : memref<!tpu.dma_semaphore, #tpu.memory_space<semaphore_mem>>
        %dma_start3A_60 = arith.constant 0 : i32
        %dma_start3A_61 = arith.constant 0 : i32
        %dma_start3A_62 = tpu.memref_slice %arg8[%dma_start3A_60, %dma_start3A_61] : memref<10240x128xf32, #tpu.memory_space<vmem_shared>> -> memref<10240x128xf32, #tpu.memory_space<vmem_shared>>
        tpu.enqueue_indirect_dma source(%arg12 : memref<128x128xf32, #tpu.memory_space<vmem>>) target(%dma_start3A_62 : memref<10240x128xf32, #tpu.memory_space<vmem_shared>>) offsets(%arg10 : memref<128xi32, #tpu.memory_space<vmem>>) semaphore(%run_scoped3A : memref<!tpu.dma_semaphore, #tpu.memory_space<semaphore_mem>>) {add = true}
        %dma_wait3A_63 = arith.constant 0 : i32
        %dma_wait3A_64 = arith.constant 0 : i32
        %dma_wait3A_65 = tpu.memref_slice %arg8[%dma_wait3A_63, %dma_wait3A_64] : memref<10240x128xf32, #tpu.memory_space<vmem_shared>> -> memref<10240x128xf32, #tpu.memory_space<vmem_shared>>
        tpu.wait_indirect_dma semaphore(%run_scoped3A : memref<!tpu.dma_semaphore, #tpu.memory_space<semaphore_mem>>) src(%arg12 : memref<128x128xf32, #tpu.memory_space<vmem>>) dst(%dma_wait3A_65 : memref<10240x128xf32, #tpu.memory_space<vmem_shared>>)
        tpu.yield
      }) : () -> ()
    }
    %while3A_35 = arith.constant 1 : i32
    scf.for %while3A_37 = %while3A_33 to %while3A_29 step %while3A_35  : i32 {
      %mul3A_38 = arith.muli %while3A_37, %while3A : i32
      %add3A_39 = arith.addi %while3A_26, %mul3A_38 : i32
      %mul3A_40 = arith.constant 32 : i32
      %mul3A_41 = arith.muli %add3A_39, %mul3A_40 : i32
      %add3A_42 = arith.addi %add3A, %mul3A_41 : i32
      %mul3A_43 = arith.constant 128 : i32
      %mul3A_44 = arith.muli %add3A_42, %mul3A_43 : i32
      "tpu.region"() ({
        %run_scoped3A = tpu.sem_alloc : memref<!tpu.dma_semaphore, #tpu.memory_space<semaphore_mem>>
        %dma_start3A_60 = tpu.memref_slice %arg4[%mul3A_44] : memref<320000xi32, #tpu.memory_space<hbm>> -> memref<128xi32, #tpu.memory_space<hbm>>
        %dma_start3A_61 = tpu.memref_slice %arg4[%mul3A_44] : memref<320000xi32, #tpu.memory_space<hbm>> -> memref<128xi32, #tpu.memory_space<hbm>>
        tpu.enqueue_dma source(%dma_start3A_61 : memref<128xi32, #tpu.memory_space<hbm>>) target(%arg9 : memref<128xi32, #tpu.memory_space<vmem>>) target_semaphore(%run_scoped3A : memref<!tpu.dma_semaphore, #tpu.memory_space<semaphore_mem>>)
        %dma_wait3A_62 = tpu.memref_slice %arg4[%mul3A_44] : memref<320000xi32, #tpu.memory_space<hbm>> -> memref<128xi32, #tpu.memory_space<hbm>>
        %dma_wait3A_63 = tpu.memref_slice %arg4[%mul3A_44] : memref<320000xi32, #tpu.memory_space<hbm>> -> memref<128xi32, #tpu.memory_space<hbm>>
        tpu.wait_dma2 semaphore(%run_scoped3A : memref<!tpu.dma_semaphore, #tpu.memory_space<semaphore_mem>>) src(%dma_wait3A_63 : memref<128xi32, #tpu.memory_space<hbm>>) dst(%arg9 : memref<128xi32, #tpu.memory_space<vmem>>)
        tpu.yield
      }) : () -> ()
      "tpu.region"() ({
        %run_scoped3A = tpu.sem_alloc : memref<!tpu.dma_semaphore, #tpu.memory_space<semaphore_mem>>
        %dma_start3A_60 = tpu.memref_slice %arg5[%mul3A_44] : memref<320000xi32, #tpu.memory_space<hbm>> -> memref<128xi32, #tpu.memory_space<hbm>>
        %dma_start3A_61 = tpu.memref_slice %arg5[%mul3A_44] : memref<320000xi32, #tpu.memory_space<hbm>> -> memref<128xi32, #tpu.memory_space<hbm>>
        tpu.enqueue_dma source(%dma_start3A_61 : memref<128xi32, #tpu.memory_space<hbm>>) target(%arg11 : memref<128xi32, #tpu.memory_space<vmem>>) target_semaphore(%run_scoped3A : memref<!tpu.dma_semaphore, #tpu.memory_space<semaphore_mem>>)
        %dma_wait3A_62 = tpu.memref_slice %arg5[%mul3A_44] : memref<320000xi32, #tpu.memory_space<hbm>> -> memref<128xi32, #tpu.memory_space<hbm>>
        %dma_wait3A_63 = tpu.memref_slice %arg5[%mul3A_44] : memref<320000xi32, #tpu.memory_space<hbm>> -> memref<128xi32, #tpu.memory_space<hbm>>
        tpu.wait_dma2 semaphore(%run_scoped3A : memref<!tpu.dma_semaphore, #tpu.memory_space<semaphore_mem>>) src(%dma_wait3A_63 : memref<128xi32, #tpu.memory_space<hbm>>) dst(%arg11 : memref<128xi32, #tpu.memory_space<vmem>>)
        tpu.yield
      }) : () -> ()
      "tpu.region"() ({
        %run_scoped3A = tpu.sem_alloc : memref<!tpu.dma_semaphore, #tpu.memory_space<semaphore_mem>>
        %dma_start3A_60 = tpu.memref_slice %arg3[%mul3A_44] : memref<320000xi32, #tpu.memory_space<hbm>> -> memref<128xi32, #tpu.memory_space<hbm>>
        %dma_start3A_61 = tpu.memref_slice %arg3[%mul3A_44] : memref<320000xi32, #tpu.memory_space<hbm>> -> memref<128xi32, #tpu.memory_space<hbm>>
        tpu.enqueue_dma source(%dma_start3A_61 : memref<128xi32, #tpu.memory_space<hbm>>) target(%arg10 : memref<128xi32, #tpu.memory_space<vmem>>) target_semaphore(%run_scoped3A : memref<!tpu.dma_semaphore, #tpu.memory_space<semaphore_mem>>)
        %dma_wait3A_62 = tpu.memref_slice %arg3[%mul3A_44] : memref<320000xi32, #tpu.memory_space<hbm>> -> memref<128xi32, #tpu.memory_space<hbm>>
        %dma_wait3A_63 = tpu.memref_slice %arg3[%mul3A_44] : memref<320000xi32, #tpu.memory_space<hbm>> -> memref<128xi32, #tpu.memory_space<hbm>>
        tpu.wait_dma2 semaphore(%run_scoped3A : memref<!tpu.dma_semaphore, #tpu.memory_space<semaphore_mem>>) src(%dma_wait3A_63 : memref<128xi32, #tpu.memory_space<hbm>>) dst(%arg10 : memref<128xi32, #tpu.memory_space<vmem>>)
        tpu.yield
      }) : () -> ()
      %dma_start3A = arith.constant 0 : i32
      %dma_start3A_45 = arith.constant 0 : i32
      %dma_start3A_46 = tpu.memref_slice %arg2[%dma_start3A, %dma_start3A_45] : memref<10000x128xf32, #tpu.memory_space<hbm>> -> memref<10000x128xf32, #tpu.memory_space<hbm>>
      tpu.enqueue_indirect_dma source(%dma_start3A_46 : memref<10000x128xf32, #tpu.memory_space<hbm>>) target(%arg12 : memref<128x128xf32, #tpu.memory_space<vmem>>) offsets(%arg9 : memref<128xi32, #tpu.memory_space<vmem>>) semaphore(%arg14 : memref<!tpu.dma_semaphore, #tpu.memory_space<semaphore_mem>>)
      %dma_start3A_47 = arith.constant 0 : i32
      %dma_start3A_48 = arith.constant 0 : i32
      %dma_start3A_49 = tpu.memref_slice %arg6[%dma_start3A_47, %dma_start3A_48] : memref<16x128xf32, #tpu.memory_space<hbm>> -> memref<16x128xf32, #tpu.memory_space<hbm>>
      tpu.enqueue_indirect_dma source(%dma_start3A_49 : memref<16x128xf32, #tpu.memory_space<hbm>>) target(%arg13 : memref<128x128xf32, #tpu.memory_space<vmem>>) offsets(%arg11 : memref<128xi32, #tpu.memory_space<vmem>>) semaphore(%arg15 : memref<!tpu.dma_semaphore, #tpu.memory_space<semaphore_mem>>)
      %dma_wait3A = arith.constant 0 : i32
      %dma_wait3A_50 = arith.constant 0 : i32
      %dma_wait3A_51 = tpu.memref_slice %arg2[%dma_wait3A, %dma_wait3A_50] : memref<10000x128xf32, #tpu.memory_space<hbm>> -> memref<10000x128xf32, #tpu.memory_space<hbm>>
      tpu.wait_indirect_dma semaphore(%arg14 : memref<!tpu.dma_semaphore, #tpu.memory_space<semaphore_mem>>) src(%dma_wait3A_51 : memref<10000x128xf32, #tpu.memory_space<hbm>>) dst(%arg12 : memref<128x128xf32, #tpu.memory_space<vmem>>)
      %dma_wait3A_52 = arith.constant 0 : i32
      %dma_wait3A_53 = arith.constant 0 : i32
      %dma_wait3A_54 = tpu.memref_slice %arg6[%dma_wait3A_52, %dma_wait3A_53] : memref<16x128xf32, #tpu.memory_space<hbm>> -> memref<16x128xf32, #tpu.memory_space<hbm>>
      tpu.wait_indirect_dma semaphore(%arg15 : memref<!tpu.dma_semaphore, #tpu.memory_space<semaphore_mem>>) src(%dma_wait3A_54 : memref<16x128xf32, #tpu.memory_space<hbm>>) dst(%arg13 : memref<128x128xf32, #tpu.memory_space<vmem>>)
      %scan3A_55 = arith.constant 0 : i32
      %scan3A_56 = arith.constant 128 : i32
      %scan3A_57 = arith.addi %scan3A_55, %scan3A_56 : i32
      %scan3A_58 = arith.constant 1 : i32
      scf.for %scan3A_60 = %scan3A_55 to %scan3A_57 step %scan3A_58  : i32 {
        %mul3A_61 = arith.constant 1 : i32
        %mul3A_62 = arith.muli %scan3A_60, %mul3A_61 : i32
        %add3A_63 = arith.constant 0 : i32
        %add3A_64 = arith.addi %add3A_63, %mul3A_62 : i32
        %get3A = arith.index_cast %add3A_64 : i32 to index
        %get3A_65 = arith.constant 0 : index
        %get3A_66 = tpu.vector_load %arg12[%get3A, %get3A_65] {strides = array<i32>} : memref<128x128xf32, #tpu.memory_space<vmem>>, vector<1x16xf32>,
        %get3A_67 = vector.shape_cast %get3A_66 : vector<1x16xf32> to vector<16xf32>
        %get3A_68 = arith.index_cast %add3A_64 : i32 to index
        %get3A_69 = arith.constant 0 : index
        %get3A_70 = tpu.vector_load %arg13[%get3A_68, %get3A_69] {strides = array<i32>} : memref<128x128xf32, #tpu.memory_space<vmem>>, vector<1x16xf32>,
        %get3A_71 = vector.shape_cast %get3A_70 : vector<1x16xf32> to vector<16xf32>
        %mul3A_72 = arith.mulf %get3A_67, %get3A_71 : vector<16xf32>
        %swap3A = arith.index_cast %add3A_64 : i32 to index
        %swap3A_73 = arith.constant 0 : index
        %swap3A_74 = tpu.vector_load %arg12[%swap3A, %swap3A_73] {strides = array<i32>} : memref<128x128xf32, #tpu.memory_space<vmem>>, vector<1x16xf32>,
        %swap3A_75 = vector.shape_cast %swap3A_74 : vector<1x16xf32> to vector<16xf32>
        %swap3A_76 = vector.shape_cast %mul3A_72 : vector<16xf32> to vector<1x16xf32>
        tpu.vector_store %arg12[%swap3A, %swap3A_73], %swap3A_76 {strides = array<i32>} : memref<128x128xf32, #tpu.memory_space<vmem>>, vector<1x16xf32>,
        %get3A_77 = arith.index_cast %add3A_64 : i32 to index
        %get3A_78 = arith.constant 16 : index
        %get3A_79 = tpu.vector_load %arg12[%get3A_77, %get3A_78] {strides = array<i32>} : memref<128x128xf32, #tpu.memory_space<vmem>>, vector<1x16xf32>,
        %get3A_80 = vector.shape_cast %get3A_79 : vector<1x16xf32> to vector<16xf32>
        %get3A_81 = arith.index_cast %add3A_64 : i32 to index
        %get3A_82 = arith.constant 16 : index
        %get3A_83 = tpu.vector_load %arg13[%get3A_81, %get3A_82] {strides = array<i32>} : memref<128x128xf32, #tpu.memory_space<vmem>>, vector<1x16xf32>,
        %get3A_84 = vector.shape_cast %get3A_83 : vector<1x16xf32> to vector<16xf32>
        %mul3A_85 = arith.mulf %get3A_80, %get3A_84 : vector<16xf32>
        %swap3A_86 = arith.index_cast %add3A_64 : i32 to index
        %swap3A_87 = arith.constant 16 : index
        %swap3A_88 = tpu.vector_load %arg12[%swap3A_86, %swap3A_87] {strides = array<i32>} : memref<128x128xf32, #tpu.memory_space<vmem>>, vector<1x16xf32>,
        %swap3A_89 = vector.shape_cast %swap3A_88 : vector<1x16xf32> to vector<16xf32>
        %swap3A_90 = vector.shape_cast %mul3A_85 : vector<16xf32> to vector<1x16xf32>
        tpu.vector_store %arg12[%swap3A_86, %swap3A_87], %swap3A_90 {strides = array<i32>} : memref<128x128xf32, #tpu.memory_space<vmem>>, vector<1x16xf32>,
        %get3A_91 = arith.index_cast %add3A_64 : i32 to index
        %get3A_92 = arith.constant 32 : index
        %get3A_93 = tpu.vector_load %arg12[%get3A_91, %get3A_92] {strides = array<i32>} : memref<128x128xf32, #tpu.memory_space<vmem>>, vector<1x16xf32>,
        %get3A_94 = vector.shape_cast %get3A_93 : vector<1x16xf32> to vector<16xf32>
        %get3A_95 = arith.index_cast %add3A_64 : i32 to index
        %get3A_96 = arith.constant 32 : index
        %get3A_97 = tpu.vector_load %arg13[%get3A_95, %get3A_96] {strides = array<i32>} : memref<128x128xf32, #tpu.memory_space<vmem>>, vector<1x16xf32>,
        %get3A_98 = vector.shape_cast %get3A_97 : vector<1x16xf32> to vector<16xf32>
        %mul3A_99 = arith.mulf %get3A_94, %get3A_98 : vector<16xf32>
        %swap3A_100 = arith.index_cast %add3A_64 : i32 to index
        %swap3A_101 = arith.constant 32 : index
        %swap3A_102 = tpu.vector_load %arg12[%swap3A_100, %swap3A_101] {strides = array<i32>} : memref<128x128xf32, #tpu.memory_space<vmem>>, vector<1x16xf32>,
        %swap3A_103 = vector.shape_cast %swap3A_102 : vector<1x16xf32> to vector<16xf32>
        %swap3A_104 = vector.shape_cast %mul3A_99 : vector<16xf32> to vector<1x16xf32>
        tpu.vector_store %arg12[%swap3A_100, %swap3A_101], %swap3A_104 {strides = array<i32>} : memref<128x128xf32, #tpu.memory_space<vmem>>, vector<1x16xf32>,
        %get3A_105 = arith.index_cast %add3A_64 : i32 to index
        %get3A_106 = arith.constant 48 : index
        %get3A_107 = tpu.vector_load %arg12[%get3A_105, %get3A_106] {strides = array<i32>} : memref<128x128xf32, #tpu.memory_space<vmem>>, vector<1x16xf32>,
        %get3A_108 = vector.shape_cast %get3A_107 : vector<1x16xf32> to vector<16xf32>
        %get3A_109 = arith.index_cast %add3A_64 : i32 to index
        %get3A_110 = arith.constant 48 : index
        %get3A_111 = tpu.vector_load %arg13[%get3A_109, %get3A_110] {strides = array<i32>} : memref<128x128xf32, #tpu.memory_space<vmem>>, vector<1x16xf32>,
        %get3A_112 = vector.shape_cast %get3A_111 : vector<1x16xf32> to vector<16xf32>
        %mul3A_113 = arith.mulf %get3A_108, %get3A_112 : vector<16xf32>
        %swap3A_114 = arith.index_cast %add3A_64 : i32 to index
        %swap3A_115 = arith.constant 48 : index
        %swap3A_116 = tpu.vector_load %arg12[%swap3A_114, %swap3A_115] {strides = array<i32>} : memref<128x128xf32, #tpu.memory_space<vmem>>, vector<1x16xf32>,
        %swap3A_117 = vector.shape_cast %swap3A_116 : vector<1x16xf32> to vector<16xf32>
        %swap3A_118 = vector.shape_cast %mul3A_113 : vector<16xf32> to vector<1x16xf32>
        tpu.vector_store %arg12[%swap3A_114, %swap3A_115], %swap3A_118 {strides = array<i32>} : memref<128x128xf32, #tpu.memory_space<vmem>>, vector<1x16xf32>,
        %get3A_119 = arith.index_cast %add3A_64 : i32 to index
        %get3A_120 = arith.constant 64 : index
        %get3A_121 = tpu.vector_load %arg12[%get3A_119, %get3A_120] {strides = array<i32>} : memref<128x128xf32, #tpu.memory_space<vmem>>, vector<1x16xf32>,
        %get3A_122 = vector.shape_cast %get3A_121 : vector<1x16xf32> to vector<16xf32>
        %get3A_123 = arith.index_cast %add3A_64 : i32 to index
        %get3A_124 = arith.constant 64 : index
        %get3A_125 = tpu.vector_load %arg13[%get3A_123, %get3A_124] {strides = array<i32>} : memref<128x128xf32, #tpu.memory_space<vmem>>, vector<1x16xf32>,
        %get3A_126 = vector.shape_cast %get3A_125 : vector<1x16xf32> to vector<16xf32>
        %mul3A_127 = arith.mulf %get3A_122, %get3A_126 : vector<16xf32>
        %swap3A_128 = arith.index_cast %add3A_64 : i32 to index
        %swap3A_129 = arith.constant 64 : index
        %swap3A_130 = tpu.vector_load %arg12[%swap3A_128, %swap3A_129] {strides = array<i32>} : memref<128x128xf32, #tpu.memory_space<vmem>>, vector<1x16xf32>,
        %swap3A_131 = vector.shape_cast %swap3A_130 : vector<1x16xf32> to vector<16xf32>
        %swap3A_132 = vector.shape_cast %mul3A_127 : vector<16xf32> to vector<1x16xf32>
        tpu.vector_store %arg12[%swap3A_128, %swap3A_129], %swap3A_132 {strides = array<i32>} : memref<128x128xf32, #tpu.memory_space<vmem>>, vector<1x16xf32>,
        %get3A_133 = arith.index_cast %add3A_64 : i32 to index
        %get3A_134 = arith.constant 80 : index
        %get3A_135 = tpu.vector_load %arg12[%get3A_133, %get3A_134] {strides = array<i32>} : memref<128x128xf32, #tpu.memory_space<vmem>>, vector<1x16xf32>,
        %get3A_136 = vector.shape_cast %get3A_135 : vector<1x16xf32> to vector<16xf32>
        %get3A_137 = arith.index_cast %add3A_64 : i32 to index
        %get3A_138 = arith.constant 80 : index
        %get3A_139 = tpu.vector_load %arg13[%get3A_137, %get3A_138] {strides = array<i32>} : memref<128x128xf32, #tpu.memory_space<vmem>>, vector<1x16xf32>,
        %get3A_140 = vector.shape_cast %get3A_139 : vector<1x16xf32> to vector<16xf32>
        %mul3A_141 = arith.mulf %get3A_136, %get3A_140 : vector<16xf32>
        %swap3A_142 = arith.index_cast %add3A_64 : i32 to index
        %swap3A_143 = arith.constant 80 : index
        %swap3A_144 = tpu.vector_load %arg12[%swap3A_142, %swap3A_143] {strides = array<i32>} : memref<128x128xf32, #tpu.memory_space<vmem>>, vector<1x16xf32>,
        %swap3A_145 = vector.shape_cast %swap3A_144 : vector<1x16xf32> to vector<16xf32>
        %swap3A_146 = vector.shape_cast %mul3A_141 : vector<16xf32> to vector<1x16xf32>
        tpu.vector_store %arg12[%swap3A_142, %swap3A_143], %swap3A_146 {strides = array<i32>} : memref<128x128xf32, #tpu.memory_space<vmem>>, vector<1x16xf32>,
        %get3A_147 = arith.index_cast %add3A_64 : i32 to index
        %get3A_148 = arith.constant 96 : index
        %get3A_149 = tpu.vector_load %arg12[%get3A_147, %get3A_148] {strides = array<i32>} : memref<128x128xf32, #tpu.memory_space<vmem>>, vector<1x16xf32>,
        %get3A_150 = vector.shape_cast %get3A_149 : vector<1x16xf32> to vector<16xf32>
        %get3A_151 = arith.index_cast %add3A_64 : i32 to index
        %get3A_152 = arith.constant 96 : index
        %get3A_153 = tpu.vector_load %arg13[%get3A_151, %get3A_152] {strides = array<i32>} : memref<128x128xf32, #tpu.memory_space<vmem>>, vector<1x16xf32>,
        %get3A_154 = vector.shape_cast %get3A_153 : vector<1x16xf32> to vector<16xf32>
        %mul3A_155 = arith.mulf %get3A_150, %get3A_154 : vector<16xf32>
        %swap3A_156 = arith.index_cast %add3A_64 : i32 to index
        %swap3A_157 = arith.constant 96 : index
        %swap3A_158 = tpu.vector_load %arg12[%swap3A_156, %swap3A_157] {strides = array<i32>} : memref<128x128xf32, #tpu.memory_space<vmem>>, vector<1x16xf32>,
        %swap3A_159 = vector.shape_cast %swap3A_158 : vector<1x16xf32> to vector<16xf32>
        %swap3A_160 = vector.shape_cast %mul3A_155 : vector<16xf32> to vector<1x16xf32>
        tpu.vector_store %arg12[%swap3A_156, %swap3A_157], %swap3A_160 {strides = array<i32>} : memref<128x128xf32, #tpu.memory_space<vmem>>, vector<1x16xf32>,
        %get3A_161 = arith.index_cast %add3A_64 : i32 to index
        %get3A_162 = arith.constant 112 : index
        %get3A_163 = tpu.vector_load %arg12[%get3A_161, %get3A_162] {strides = array<i32>} : memref<128x128xf32, #tpu.memory_space<vmem>>, vector<1x16xf32>,
        %get3A_164 = vector.shape_cast %get3A_163 : vector<1x16xf32> to vector<16xf32>
        %get3A_165 = arith.index_cast %add3A_64 : i32 to index
        %get3A_166 = arith.constant 112 : index
        %get3A_167 = tpu.vector_load %arg13[%get3A_165, %get3A_166] {strides = array<i32>} : memref<128x128xf32, #tpu.memory_space<vmem>>, vector<1x16xf32>,
        %get3A_168 = vector.shape_cast %get3A_167 : vector<1x16xf32> to vector<16xf32>
        %mul3A_169 = arith.mulf %get3A_164, %get3A_168 : vector<16xf32>
        %swap3A_170 = arith.index_cast %add3A_64 : i32 to index
        %swap3A_171 = arith.constant 112 : index
        %swap3A_172 = tpu.vector_load %arg12[%swap3A_170, %swap3A_171] {strides = array<i32>} : memref<128x128xf32, #tpu.memory_space<vmem>>, vector<1x16xf32>,
        %swap3A_173 = vector.shape_cast %swap3A_172 : vector<1x16xf32> to vector<16xf32>
        %swap3A_174 = vector.shape_cast %mul3A_169 : vector<16xf32> to vector<1x16xf32>
        tpu.vector_store %arg12[%swap3A_170, %swap3A_171], %swap3A_174 {strides = array<i32>} : memref<128x128xf32, #tpu.memory_space<vmem>>, vector<1x16xf32>,
      }
      %scan3A_59 = arith.constant 128 : i32
      "tpu.region"() ({
        %run_scoped3A = tpu.sem_alloc : memref<!tpu.dma_semaphore, #tpu.memory_space<semaphore_mem>>
        %dma_start3A_60 = arith.constant 0 : i32
        %dma_start3A_61 = arith.constant 0 : i32
        %dma_start3A_62 = tpu.memref_slice %arg8[%dma_start3A_60, %dma_start3A_61] : memref<10240x128xf32, #tpu.memory_space<vmem_shared>> -> memref<10240x128xf32, #tpu.memory_space<vmem_shared>>
        tpu.enqueue_indirect_dma source(%arg12 : memref<128x128xf32, #tpu.memory_space<vmem>>) target(%dma_start3A_62 : memref<10240x128xf32, #tpu.memory_space<vmem_shared>>) offsets(%arg10 : memref<128xi32, #tpu.memory_space<vmem>>) semaphore(%run_scoped3A : memref<!tpu.dma_semaphore, #tpu.memory_space<semaphore_mem>>) {add = true}
        %dma_wait3A_63 = arith.constant 0 : i32
        %dma_wait3A_64 = arith.constant 0 : i32
        %dma_wait3A_65 = tpu.memref_slice %arg8[%dma_wait3A_63, %dma_wait3A_64] : memref<10240x128xf32, #tpu.memory_space<vmem_shared>> -> memref<10240x128xf32, #tpu.memory_space<vmem_shared>>
        tpu.wait_indirect_dma semaphore(%run_scoped3A : memref<!tpu.dma_semaphore, #tpu.memory_space<semaphore_mem>>) src(%arg12 : memref<128x128xf32, #tpu.memory_space<vmem>>) dst(%dma_wait3A_65 : memref<10240x128xf32, #tpu.memory_space<vmem_shared>>)
        tpu.yield
      }) : () -> ()
    }
    %barrier3A_36 = arith.constant 0 : index
    tpu.barrier barrier_id(%barrier3A_36)
    "tpu.region"() ({
      %run_scoped3A = tpu.sem_alloc : memref<!tpu.dma_semaphore, #tpu.memory_space<semaphore_mem>>
      %dma_start3A = arith.constant 0 : i32
      %dma_start3A_37 = tpu.memref_slice %arg7[%arg0, %mul3A_2, %dma_start3A] : memref<2x10240x128xf32, #tpu.memory_space<hbm>> -> memref<1x640x128xf32, #tpu.memory_space<hbm>>
      %dma_start3A_38 = tpu.memref_squeeze %dma_start3A_37 : memref<1x640x128xf32, #tpu.memory_space<hbm>> -> memref<640x128xf32, #tpu.memory_space<hbm>>
      %dma_start3A_39 = arith.constant 0 : i32
      %dma_start3A_40 = tpu.memref_slice %arg8[%mul3A_2, %dma_start3A_39] : memref<10240x128xf32, #tpu.memory_space<vmem_shared>> -> memref<640x128xf32, #tpu.memory_space<vmem_shared>>
      tpu.enqueue_dma source(%dma_start3A_40 : memref<640x128xf32, #tpu.memory_space<vmem_shared>>) target(%dma_start3A_38 : memref<640x128xf32, #tpu.memory_space<hbm>>) target_semaphore(%run_scoped3A : memref<!tpu.dma_semaphore, #tpu.memory_space<semaphore_mem>>)
      %dma_wait3A = arith.constant 0 : i32
      %dma_wait3A_41 = tpu.memref_slice %arg7[%arg0, %mul3A_2, %dma_wait3A] : memref<2x10240x128xf32, #tpu.memory_space<hbm>> -> memref<1x640x128xf32, #tpu.memory_space<hbm>>
      %dma_wait3A_42 = tpu.memref_squeeze %dma_wait3A_41 : memref<1x640x128xf32, #tpu.memory_space<hbm>> -> memref<640x128xf32, #tpu.memory_space<hbm>>
      %dma_wait3A_43 = arith.constant 0 : i32
      %dma_wait3A_44 = tpu.memref_slice %arg8[%mul3A_2, %dma_wait3A_43] : memref<10240x128xf32, #tpu.memory_space<vmem_shared>> -> memref<640x128xf32, #tpu.memory_space<vmem_shared>>
      tpu.wait_dma2 semaphore(%run_scoped3A : memref<!tpu.dma_semaphore, #tpu.memory_space<semaphore_mem>>) src(%dma_wait3A_44 : memref<640x128xf32, #tpu.memory_space<vmem_shared>>) dst(%dma_wait3A_42 : memref<640x128xf32, #tpu.memory_space<hbm>>)
      tpu.yield
    }) : () -> ()
    return
  }
}

module attributes {stable_mosaic.version = 14 : i64} {
  func.func @_dense_body(%arg0: i32, %arg1: memref<2x512x128xf32, #tpu.memory_space<vmem>>, %arg2: memref<512x128xf32, #tpu.memory_space<vmem>>, %arg3: memref<128x128xf32, #tpu.memory_space<vmem>>, %arg4: memref<1x128xf32, #tpu.memory_space<vmem>>, %arg5: memref<128x128xf32, #tpu.memory_space<vmem>>, %arg6: memref<128x128xf32, #tpu.memory_space<vmem>>, %arg7: memref<1x128xf32, #tpu.memory_space<vmem>>, %arg8: memref<512x128xf32, #tpu.memory_space<vmem>>) attributes {dimension_semantics = [#tpu.dimension_semantics<arbitrary>], iteration_bounds = array<i64: 20>, scalar_prefetch = 0 : i64, scratch_operands = 0 : i64, tpu.core_type = #tpu.core_type<tc>, window_params = [{transform_indices = @transform_0, window_bounds = array<i64: 2, 512, 128>}, {transform_indices = @transform_1, window_bounds = array<i64: 512, 128>}, {pipeline_mode = #tpu.pipeline_mode<synchronous>, transform_indices = @transform_2, window_bounds = array<i64: 128, 128>}, {pipeline_mode = #tpu.pipeline_mode<synchronous>, transform_indices = @transform_3, window_bounds = array<i64: 1, 128>}, {pipeline_mode = #tpu.pipeline_mode<synchronous>, transform_indices = @transform_4, window_bounds = array<i64: 128, 128>}, {pipeline_mode = #tpu.pipeline_mode<synchronous>, transform_indices = @transform_5, window_bounds = array<i64: 128, 128>}, {pipeline_mode = #tpu.pipeline_mode<synchronous>, transform_indices = @transform_6, window_bounds = array<i64: 1, 128>}, {transform_indices = @transform_7, window_bounds = array<i64: 512, 128>}]} {
    %get3A = arith.constant 0 : index
    %get3A_0 = arith.constant 0 : index
    %get3A_1 = arith.constant 0 : index
    %get3A_2 = vector.load %arg1[%get3A, %get3A_0, %get3A_1] : memref<2x512x128xf32, #tpu.memory_space<vmem>>, vector<1x512x128xf32>
    %get3A_3 = vector.shape_cast %get3A_2 : vector<1x512x128xf32> to vector<512x128xf32>
    %get3A_4 = arith.constant 1 : index
    %get3A_5 = arith.constant 0 : index
    %get3A_6 = arith.constant 0 : index
    %get3A_7 = vector.load %arg1[%get3A_4, %get3A_5, %get3A_6] : memref<2x512x128xf32, #tpu.memory_space<vmem>>, vector<1x512x128xf32>
    %get3A_8 = vector.shape_cast %get3A_7 : vector<1x512x128xf32> to vector<512x128xf32>
    %add3A = arith.addf %get3A_3, %get3A_8 : vector<512x128xf32>
    %mul3A = arith.mulf %add3A, %add3A : vector<512x128xf32>
    %reduce_sum3A = arith.constant dense<0.000000e+00> : vector<512xf32>
    %reduce_sum3A_9 = vector.multi_reduction <add>, %mul3A, %reduce_sum3A [1] : vector<512x128xf32> to vector<512xf32>
    %broadcast_in_dim3A = vector.shape_cast %reduce_sum3A_9 : vector<512xf32> to vector<512x1xf32>
    %sqrt3A = math.sqrt %broadcast_in_dim3A : vector<512x1xf32>
    %max3A = arith.constant 9.99999996E-13 : f32
    %max3A_10 = vector.broadcast %max3A : f32 to vector<512x1xf32>
    %max3A_11 = arith.maximumf %sqrt3A, %max3A_10 : vector<512x1xf32>
    %div3A = vector.broadcast %max3A_11 : vector<512x1xf32> to vector<512x128xf32>
    %div3A_12 = arith.divf %add3A, %div3A : vector<512x128xf32>
    %get3A_13 = arith.constant 0 : index
    %get3A_14 = arith.constant 0 : index
    %get3A_15 = vector.load %arg2[%get3A_13, %get3A_14] : memref<512x128xf32, #tpu.memory_space<vmem>>, vector<512x128xf32>
    %add3A_16 = arith.addf %get3A_15, %div3A_12 : vector<512x128xf32>
    %get3A_17 = arith.constant 0 : index
    %get3A_18 = arith.constant 0 : index
    %get3A_19 = vector.load %arg3[%get3A_17, %get3A_18] : memref<128x128xf32, #tpu.memory_space<vmem>>, vector<128x128xf32>
    %dot_general3A = arith.constant dense<0.000000e+00> : vector<512x128xf32>
    %dot_general3A_20 = tpu.matmul %add3A_16, %get3A_19, %dot_general3A {dimension_numbers = #tpu.dot_dimension_numbers<[1], [0], [0], [1], [0, 0, 1, 1], [], []>, precision = #tpu.contract_precision<fp32>, transpose_lhs_hint = false} : vector<512x128xf32>, vector<128x128xf32>, vector<512x128xf32> -> vector<512x128xf32>
    %get3A_21 = arith.constant 0 : index
    %get3A_22 = arith.constant 0 : index
    %get3A_23 = vector.load %arg4[%get3A_21, %get3A_22] : memref<1x128xf32, #tpu.memory_space<vmem>>, vector<1x128xf32>
    %add3A_24 = vector.broadcast %get3A_23 : vector<1x128xf32> to vector<512x128xf32>
    %add3A_25 = arith.addf %dot_general3A_20, %add3A_24 : vector<512x128xf32>
    %get3A_26 = arith.constant 0 : index
    %get3A_27 = arith.constant 0 : index
    %get3A_28 = vector.load %arg5[%get3A_26, %get3A_27] : memref<128x128xf32, #tpu.memory_space<vmem>>, vector<128x128xf32>
    %dot_general3A_29 = arith.constant dense<0.000000e+00> : vector<512x128xf32>
    %dot_general3A_30 = tpu.matmul %get3A_15, %get3A_28, %dot_general3A_29 {dimension_numbers = #tpu.dot_dimension_numbers<[1], [0], [0], [1], [0, 0, 1, 1], [], []>, precision = #tpu.contract_precision<fp32>, transpose_lhs_hint = false} : vector<512x128xf32>, vector<128x128xf32>, vector<512x128xf32> -> vector<512x128xf32>
    %get3A_31 = arith.constant 0 : index
    %get3A_32 = arith.constant 0 : index
    %get3A_33 = vector.load %arg6[%get3A_31, %get3A_32] : memref<128x128xf32, #tpu.memory_space<vmem>>, vector<128x128xf32>
    %dot_general3A_34 = arith.constant dense<0.000000e+00> : vector<512x128xf32>
    %dot_general3A_35 = tpu.matmul %div3A_12, %get3A_33, %dot_general3A_34 {dimension_numbers = #tpu.dot_dimension_numbers<[1], [0], [0], [1], [0, 0, 1, 1], [], []>, precision = #tpu.contract_precision<fp32>, transpose_lhs_hint = false} : vector<512x128xf32>, vector<128x128xf32>, vector<512x128xf32> -> vector<512x128xf32>
    %add3A_36 = arith.addf %dot_general3A_30, %dot_general3A_35 : vector<512x128xf32>
    %get3A_37 = arith.constant 0 : index
    %get3A_38 = arith.constant 0 : index
    %get3A_39 = vector.load %arg7[%get3A_37, %get3A_38] : memref<1x128xf32, #tpu.memory_space<vmem>>, vector<1x128xf32>
    %add3A_40 = vector.broadcast %get3A_39 : vector<1x128xf32> to vector<512x128xf32>
    %add3A_41 = arith.addf %add3A_36, %add3A_40 : vector<512x128xf32>
    %ge3A = arith.constant 0.000000e+00 : f32
    %ge3A_42 = vector.broadcast %ge3A : f32 to vector<512x128xf32>
    %ge3A_43 = arith.cmpf oge, %add3A_25, %ge3A_42 : vector<512x128xf32>
    %mul3A_44 = arith.constant 0.00999999977 : f32
    %mul3A_45 = vector.broadcast %mul3A_44 : f32 to vector<512x128xf32>
    %mul3A_46 = arith.mulf %mul3A_45, %add3A_25 : vector<512x128xf32>
    %select_n3A = arith.select %ge3A_43, %add3A_25, %mul3A_46 : vector<512x128xi1>, vector<512x128xf32>
    %ge3A_47 = arith.constant 0.000000e+00 : f32
    %ge3A_48 = vector.broadcast %ge3A_47 : f32 to vector<512x128xf32>
    %ge3A_49 = arith.cmpf oge, %add3A_41, %ge3A_48 : vector<512x128xf32>
    %mul3A_50 = arith.constant 0.00999999977 : f32
    %mul3A_51 = vector.broadcast %mul3A_50 : f32 to vector<512x128xf32>
    %mul3A_52 = arith.mulf %mul3A_51, %add3A_41 : vector<512x128xf32>
    %select_n3A_53 = arith.select %ge3A_49, %add3A_41, %mul3A_52 : vector<512x128xi1>, vector<512x128xf32>
    %add3A_54 = arith.addf %select_n3A, %select_n3A_53 : vector<512x128xf32>
    %swap3A = arith.constant 0 : index
    %swap3A_55 = arith.constant 0 : index
    %swap3A_56 = vector.load %arg8[%swap3A, %swap3A_55] : memref<512x128xf32, #tpu.memory_space<vmem>>, vector<512x128xf32>
    tpu.vector_store %arg8[%swap3A, %swap3A_55], %add3A_54 {strides = array<i32>} : memref<512x128xf32, #tpu.memory_space<vmem>>, vector<512x128xf32>,
    return
  }
  func.func @transform_0(%arg0: i32) -> (i32, i32, i32) {
    %c0_i32 = arith.constant 0 : i32
    %c0_i32_0 = arith.constant 0 : i32
    %c0_i32_1 = arith.constant 0 : i32
    return %c0_i32, %arg0, %c0_i32_0 : i32, i32, i32
  }
  func.func @transform_1(%arg0: i32) -> (i32, i32) {
    %c0_i32 = arith.constant 0 : i32
    %c0_i32_0 = arith.constant 0 : i32
    return %arg0, %c0_i32 : i32, i32
  }
  func.func @transform_2(%arg0: i32) -> (i32, i32) {
    %c0_i32 = arith.constant 0 : i32
    %c0_i32_0 = arith.constant 0 : i32
    %c0_i32_1 = arith.constant 0 : i32
    return %c0_i32, %c0_i32_0 : i32, i32
  }
  func.func @transform_3(%arg0: i32) -> (i32, i32) {
    %c0_i32 = arith.constant 0 : i32
    %c0_i32_0 = arith.constant 0 : i32
    %c0_i32_1 = arith.constant 0 : i32
    return %c0_i32, %c0_i32_0 : i32, i32
  }
  func.func @transform_4(%arg0: i32) -> (i32, i32) {
    %c0_i32 = arith.constant 0 : i32
    %c0_i32_0 = arith.constant 0 : i32
    %c0_i32_1 = arith.constant 0 : i32
    return %c0_i32, %c0_i32_0 : i32, i32
  }
  func.func @transform_5(%arg0: i32) -> (i32, i32) {
    %c0_i32 = arith.constant 0 : i32
    %c0_i32_0 = arith.constant 0 : i32
    %c0_i32_1 = arith.constant 0 : i32
    return %c0_i32, %c0_i32_0 : i32, i32
  }
  func.func @transform_6(%arg0: i32) -> (i32, i32) {
    %c0_i32 = arith.constant 0 : i32
    %c0_i32_0 = arith.constant 0 : i32
    %c0_i32_1 = arith.constant 0 : i32
    return %c0_i32, %c0_i32_0 : i32, i32
  }
  func.func @transform_7(%arg0: i32) -> (i32, i32) {
    %c0_i32 = arith.constant 0 : i32
    %c0_i32_0 = arith.constant 0 : i32
    return %arg0, %c0_i32 : i32, i32
  }
}

module attributes {stable_mosaic.version = 14 : i64} {
  func.func @_dense_body(%arg0: i32, %arg1: memref<2x512x128xf32, #tpu.memory_space<vmem>>, %arg2: memref<512x128xf32, #tpu.memory_space<vmem>>, %arg3: memref<128x128xf32, #tpu.memory_space<vmem>>, %arg4: memref<1x128xf32, #tpu.memory_space<vmem>>, %arg5: memref<128x128xf32, #tpu.memory_space<vmem>>, %arg6: memref<128x128xf32, #tpu.memory_space<vmem>>, %arg7: memref<1x128xf32, #tpu.memory_space<vmem>>, %arg8: memref<512x128xf32, #tpu.memory_space<vmem>>) attributes {dimension_semantics = [#tpu.dimension_semantics<arbitrary>], iteration_bounds = array<i64: 20>, scalar_prefetch = 0 : i64, scratch_operands = 0 : i64, tpu.core_type = #tpu.core_type<tc>, window_params = [{transform_indices = @transform_0, window_bounds = array<i64: 2, 512, 128>}, {transform_indices = @transform_1, window_bounds = array<i64: 512, 128>}, {pipeline_mode = #tpu.pipeline_mode<synchronous>, transform_indices = @transform_2, window_bounds = array<i64: 128, 128>}, {pipeline_mode = #tpu.pipeline_mode<synchronous>, transform_indices = @transform_3, window_bounds = array<i64: 1, 128>}, {pipeline_mode = #tpu.pipeline_mode<synchronous>, transform_indices = @transform_4, window_bounds = array<i64: 128, 128>}, {pipeline_mode = #tpu.pipeline_mode<synchronous>, transform_indices = @transform_5, window_bounds = array<i64: 128, 128>}, {pipeline_mode = #tpu.pipeline_mode<synchronous>, transform_indices = @transform_6, window_bounds = array<i64: 1, 128>}, {transform_indices = @transform_7, window_bounds = array<i64: 512, 128>}]} {
    %get3A = arith.constant 0 : index
    %get3A_0 = arith.constant 0 : index
    %get3A_1 = arith.constant 0 : index
    %get3A_2 = vector.load %arg1[%get3A, %get3A_0, %get3A_1] : memref<2x512x128xf32, #tpu.memory_space<vmem>>, vector<1x512x128xf32>
    %get3A_3 = vector.shape_cast %get3A_2 : vector<1x512x128xf32> to vector<512x128xf32>
    %get3A_4 = arith.constant 1 : index
    %get3A_5 = arith.constant 0 : index
    %get3A_6 = arith.constant 0 : index
    %get3A_7 = vector.load %arg1[%get3A_4, %get3A_5, %get3A_6] : memref<2x512x128xf32, #tpu.memory_space<vmem>>, vector<1x512x128xf32>
    %get3A_8 = vector.shape_cast %get3A_7 : vector<1x512x128xf32> to vector<512x128xf32>
    %add3A = arith.addf %get3A_3, %get3A_8 : vector<512x128xf32>
    %mul3A = arith.mulf %add3A, %add3A : vector<512x128xf32>
    %reduce_sum3A = arith.constant dense<0.000000e+00> : vector<512xf32>
    %reduce_sum3A_9 = vector.multi_reduction <add>, %mul3A, %reduce_sum3A [1] : vector<512x128xf32> to vector<512xf32>
    %broadcast_in_dim3A = vector.shape_cast %reduce_sum3A_9 : vector<512xf32> to vector<512x1xf32>
    %sqrt3A = math.sqrt %broadcast_in_dim3A : vector<512x1xf32>
    %max3A = arith.constant 9.99999996E-13 : f32
    %max3A_10 = vector.broadcast %max3A : f32 to vector<512x1xf32>
    %max3A_11 = arith.maximumf %sqrt3A, %max3A_10 : vector<512x1xf32>
    %div3A = vector.broadcast %max3A_11 : vector<512x1xf32> to vector<512x128xf32>
    %div3A_12 = arith.divf %add3A, %div3A : vector<512x128xf32>
    %get3A_13 = arith.constant 0 : index
    %get3A_14 = arith.constant 0 : index
    %get3A_15 = vector.load %arg2[%get3A_13, %get3A_14] : memref<512x128xf32, #tpu.memory_space<vmem>>, vector<512x128xf32>
    %add3A_16 = arith.addf %get3A_15, %div3A_12 : vector<512x128xf32>
    %get3A_17 = arith.constant 0 : index
    %get3A_18 = arith.constant 0 : index
    %get3A_19 = vector.load %arg3[%get3A_17, %get3A_18] : memref<128x128xf32, #tpu.memory_space<vmem>>, vector<128x128xf32>
    %dot_general3A = arith.constant dense<0.000000e+00> : vector<512x128xf32>
    %dot_general3A_20 = tpu.matmul %add3A_16, %get3A_19, %dot_general3A {dimension_numbers = #tpu.dot_dimension_numbers<[1], [0], [0], [1], [0, 0, 1, 1], [], []>, precision = #tpu.contract_precision<fp32>, transpose_lhs_hint = false} : vector<512x128xf32>, vector<128x128xf32>, vector<512x128xf32> -> vector<512x128xf32>
    %get3A_21 = arith.constant 0 : index
    %get3A_22 = arith.constant 0 : index
    %get3A_23 = vector.load %arg4[%get3A_21, %get3A_22] : memref<1x128xf32, #tpu.memory_space<vmem>>, vector<1x128xf32>
    %add3A_24 = vector.broadcast %get3A_23 : vector<1x128xf32> to vector<512x128xf32>
    %add3A_25 = arith.addf %dot_general3A_20, %add3A_24 : vector<512x128xf32>
    %get3A_26 = arith.constant 0 : index
    %get3A_27 = arith.constant 0 : index
    %get3A_28 = vector.load %arg5[%get3A_26, %get3A_27] : memref<128x128xf32, #tpu.memory_space<vmem>>, vector<128x128xf32>
    %dot_general3A_29 = arith.constant dense<0.000000e+00> : vector<512x128xf32>
    %dot_general3A_30 = tpu.matmul %get3A_15, %get3A_28, %dot_general3A_29 {dimension_numbers = #tpu.dot_dimension_numbers<[1], [0], [0], [1], [0, 0, 1, 1], [], []>, precision = #tpu.contract_precision<fp32>, transpose_lhs_hint = false} : vector<512x128xf32>, vector<128x128xf32>, vector<512x128xf32> -> vector<512x128xf32>
    %get3A_31 = arith.constant 0 : index
    %get3A_32 = arith.constant 0 : index
    %get3A_33 = vector.load %arg6[%get3A_31, %get3A_32] : memref<128x128xf32, #tpu.memory_space<vmem>>, vector<128x128xf32>
    %dot_general3A_34 = arith.constant dense<0.000000e+00> : vector<512x128xf32>
    %dot_general3A_35 = tpu.matmul %div3A_12, %get3A_33, %dot_general3A_34 {dimension_numbers = #tpu.dot_dimension_numbers<[1], [0], [0], [1], [0, 0, 1, 1], [], []>, precision = #tpu.contract_precision<fp32>, transpose_lhs_hint = false} : vector<512x128xf32>, vector<128x128xf32>, vector<512x128xf32> -> vector<512x128xf32>
    %add3A_36 = arith.addf %dot_general3A_30, %dot_general3A_35 : vector<512x128xf32>
    %get3A_37 = arith.constant 0 : index
    %get3A_38 = arith.constant 0 : index
    %get3A_39 = vector.load %arg7[%get3A_37, %get3A_38] : memref<1x128xf32, #tpu.memory_space<vmem>>, vector<1x128xf32>
    %add3A_40 = vector.broadcast %get3A_39 : vector<1x128xf32> to vector<512x128xf32>
    %add3A_41 = arith.addf %add3A_36, %add3A_40 : vector<512x128xf32>
    %ge3A = arith.constant 0.000000e+00 : f32
    %ge3A_42 = vector.broadcast %ge3A : f32 to vector<512x128xf32>
    %ge3A_43 = arith.cmpf oge, %add3A_25, %ge3A_42 : vector<512x128xf32>
    %mul3A_44 = arith.constant 0.00999999977 : f32
    %mul3A_45 = vector.broadcast %mul3A_44 : f32 to vector<512x128xf32>
    %mul3A_46 = arith.mulf %mul3A_45, %add3A_25 : vector<512x128xf32>
    %select_n3A = arith.select %ge3A_43, %add3A_25, %mul3A_46 : vector<512x128xi1>, vector<512x128xf32>
    %ge3A_47 = arith.constant 0.000000e+00 : f32
    %ge3A_48 = vector.broadcast %ge3A_47 : f32 to vector<512x128xf32>
    %ge3A_49 = arith.cmpf oge, %add3A_41, %ge3A_48 : vector<512x128xf32>
    %mul3A_50 = arith.constant 0.00999999977 : f32
    %mul3A_51 = vector.broadcast %mul3A_50 : f32 to vector<512x128xf32>
    %mul3A_52 = arith.mulf %mul3A_51, %add3A_41 : vector<512x128xf32>
    %select_n3A_53 = arith.select %ge3A_49, %add3A_41, %mul3A_52 : vector<512x128xi1>, vector<512x128xf32>
    %add3A_54 = arith.addf %select_n3A, %select_n3A_53 : vector<512x128xf32>
    %swap3A = arith.constant 0 : index
    %swap3A_55 = arith.constant 0 : index
    %swap3A_56 = vector.load %arg8[%swap3A, %swap3A_55] : memref<512x128xf32, #tpu.memory_space<vmem>>, vector<512x128xf32>
    tpu.vector_store %arg8[%swap3A, %swap3A_55], %add3A_54 {strides = array<i32>} : memref<512x128xf32, #tpu.memory_space<vmem>>, vector<512x128xf32>,
    return
  }
  func.func @transform_0(%arg0: i32) -> (i32, i32, i32) {
    %c0_i32 = arith.constant 0 : i32
    %c0_i32_0 = arith.constant 0 : i32
    %c0_i32_1 = arith.constant 0 : i32
    return %c0_i32, %arg0, %c0_i32_0 : i32, i32, i32
  }
  func.func @transform_1(%arg0: i32) -> (i32, i32) {
    %c0_i32 = arith.constant 0 : i32
    %c0_i32_0 = arith.constant 0 : i32
    return %arg0, %c0_i32 : i32, i32
  }
  func.func @transform_2(%arg0: i32) -> (i32, i32) {
    %c0_i32 = arith.constant 0 : i32
    %c0_i32_0 = arith.constant 0 : i32
    %c0_i32_1 = arith.constant 0 : i32
    return %c0_i32, %c0_i32_0 : i32, i32
  }
  func.func @transform_3(%arg0: i32) -> (i32, i32) {
    %c0_i32 = arith.constant 0 : i32
    %c0_i32_0 = arith.constant 0 : i32
    %c0_i32_1 = arith.constant 0 : i32
    return %c0_i32, %c0_i32_0 : i32, i32
  }
  func.func @transform_4(%arg0: i32) -> (i32, i32) {
    %c0_i32 = arith.constant 0 : i32
    %c0_i32_0 = arith.constant 0 : i32
    %c0_i32_1 = arith.constant 0 : i32
    return %c0_i32, %c0_i32_0 : i32, i32
  }
  func.func @transform_5(%arg0: i32) -> (i32, i32) {
    %c0_i32 = arith.constant 0 : i32
    %c0_i32_0 = arith.constant 0 : i32
    %c0_i32_1 = arith.constant 0 : i32
    return %c0_i32, %c0_i32_0 : i32, i32
  }
  func.func @transform_6(%arg0: i32) -> (i32, i32) {
    %c0_i32 = arith.constant 0 : i32
    %c0_i32_0 = arith.constant 0 : i32
    %c0_i32_1 = arith.constant 0 : i32
    return %c0_i32, %c0_i32_0 : i32, i32
  }
  func.func @transform_7(%arg0: i32) -> (i32, i32) {
    %c0_i32 = arith.constant 0 : i32
    %c0_i32_0 = arith.constant 0 : i32
    return %arg0, %c0_i32 : i32, i32
  }
}

</mosaic_0001>

<sc_bundles>
// kernel: kernel.6.cloned.1.call-start
scs
__scs_entry_jumppad:
0x0: {  	(pc) =	sbr.rel $0x88, $3  }
0x1: {  	(tag) =	ssettag $0x0;
	lr =	simm.s32 $0x1  }
0x2: {  	[smem:$0x3F99] =	sst lr;
	_ =	strace $0xD0000000  }
0x3: {  	_ = 	snop  }
0x4: {  	_ = 	snop  }
0x5: {  	_ = 	snop  }
0x6: {  	_ = 	snop  }
0x7: {  	_ = 	snop  }
__scs_overlays_trampoline_lowered:
0x8: {  	[smem:$0x3FA8] =	sst s0  }
0x9: {  	[smem:$0x3FA9] =	sst s1  }
0xa: {  	[smem:$0x3FAA] =	sst s2  }
0xb: {  	[smem:$0x3FAB] =	sst s3  }
0xc: {  	[smem:$0x3FAC] =	sst s4  }
0xd: {  	[smem:$0x3FAD] =	sst s5  }
0xe: {  	[smem:$0x3FAE] =	sst s6  }
0xf: {  	[smem:$0x3FAF] =	sst s7  }
0x10: {  	[smem:$0x3FB0] =	sst s8  }
0x11: {  	[smem:$0x3FB1] =	sst s9;
	s0 =	simm.s32 @!p0 $0x0  }
0x12: {  	s1 =	sld [smem:$0x3F97];
	s0 =	simm.s32 @p0 $0x1  }
0x13: {  	[smem:$0x3FB2] =	sst s0;
	s0 =	simm.s32 @!p1 $0x0  }
0x14: {  	s2 =	sld [smem:$0x3F96];
	s0 =	simm.s32 @p1 $0x1  }
0x15: {  	[smem:$0x3FB3] =	sst s0;
	s0 =	simm.s32 @!p2 $0x0  }
0x16: {  	s3 =	sld [smem:$0x3FDB];
	s0 =	simm.s32 @p2 $0x1  }
0x17: {  	s4 =	simm.s32 $0x1BF5;
	[smem:$0x3FB5] =	sst s0  }
0x18: {  	s0 =	sld [smem:$0x3F98];
	_ =	swait.ge [sflag:s4], $0x0  }
0x19: {  	s7 =	sld [smem:$0x3F99]  }
0x1a: {  	s8 =	sadd.s32 $0xFFFFE003, lr  }
0x1b: {  	s9 =	sadd.s32 $0xFFFFFEF7, lr;
	s5 =	simm.s32 $0xFFFFFFFF;
	p2 =	slt.u32 s8, $0xFFFFF086  }
0x1c: {  	p1 =	slt.u32 s9, $0xF7A;
	s5 =	simm.s32 @!p2 $0x0  }
0x1d: {  	s5 =	simm.s32 @p1 $0x1;
	p0 =	seq.s32 s7, s2  }
0x1e: {  	s7 =	smul.u32 @!p0 $0xF7A, s2;
	p2 =	seq.s32 @!p0 s5, $0x0  }
0x1f: {  	s9 =	smul.u32 $0xF7A, s1;
	s8 =	simm.s32 @!p0 $0x1BF5;
	p2 =	por !p2, p0  }
0x20: {  	[sflag:s8] =	ssyncset.s32 @!p0 $0xFFFFF086;
	s6 =	sadd.s32 @!p0 s3, s7;
	s7 =	simm.s32 @!p0 $0x108  }
0x21: {  	s3 =	sadd.s32 s3, s9;
	s6 =	sadd.s32 @!p0 $0x88, s6;
	s7 =	simm.s32 @p2 $0x1082  }
0x22: {  	[simem:s7], [sflag:s8] =	dma.local @!p0 [hbm:s6], $0xF7A  }
0x23: {  	s9 =	sor.u32 $0xD0000000, s2;
	s6 =	simm.s32 $0x108;
	_ =	swait.ge @!p0 [sflag:s8], $0x0  }
0x24: {  	s3 =	sadd.s32 $0x88, s3;
	s6 =	simm.s32 @!p1 $0x1082;
	[sflag:s4] =	ssyncset.s32 $0xFFFFF086  }
0x25: {  	[simem:s6], [sflag:s4] =	dma.local [hbm:s3], $0xF7A  }
0x26: {  	[smem:$0x3F99] =	sst s1;
	(tag) =	ssettag s2;
	_ =	strace s9  }
0x27: {  	s1 =	sld [smem:$0x3FA9]  }
0x28: {  	s2 =	sld [smem:$0x3FAA]  }
0x29: {  	s4 =	sld [smem:$0x3FAC]  }
0x2a: {  	p0 =	seq.s32 s5, $0x0;
	s5 =	sld [smem:$0x3FAD]  }
0x2b: {  	s6 =	sld [smem:$0x3FAE]  }
0x2c: {  	s7 =	sld [smem:$0x3FAF]  }
0x2d: {  	s3 =	simm.s32 $0x108;
	s8 =	sld [smem:$0x3FB0]  }
0x2e: {  	s3 =	simm.s32 @!p0 $0x1082;
	s9 =	sld [smem:$0x3FB1]  }
0x2f: {  	lr =	sadd.s32 s0, s3;
	s0 =	sld [smem:$0x3FA8]  }
0x30: {  	s3 =	sld [smem:$0x3FAB]  }
0x31: {  	[smem:$0x3FB4] =	sst s10  }
0x32: {  	s10 =	sld [smem:$0x3FB2];
	_ =	sdelay $0x3  }
0x33: {  	p0 =	seq.s32 s10, $0x1;
	s10 =	sld [smem:$0x3FB4];
	_ =	sdelay $0x3  }
0x34: {  	[smem:$0x3FB4] =	sst s10  }
0x35: {  	s10 =	sld [smem:$0x3FB3];
	_ =	sdelay $0x3  }
0x36: {  	p1 =	seq.s32 s10, $0x1;
	s10 =	sld [smem:$0x3FB4];
	_ =	sdelay $0x3  }
0x37: {  	[smem:$0x3FB4] =	sst s10  }
0x38: {  	s10 =	sld [smem:$0x3FB5]  }
0x39: {  	_ = 	snop;
	(pc) =	sbr.ind lr, $3  }
0x3a: {  	_ = 	snop  }
0x3b: {  	_ = 	snop  }
0x3c: {  	p2 =	seq.s32 s10, $0x1;
	s10 =	sld [smem:$0x3FB4]  }
0x3d: {  	_ =	shalt  }
0x3e: {  	_ =	shalt  }
0x3f: {  	_ =	shalt  }
0x40: {  	_ =	shalt  }
0x41: {  	_ =	shalt  }
0x42: {  	_ =	shalt  }
0x43: {  	_ =	shalt  }
0x44: {  	_ =	shalt  }
0x45: {  	_ =	shalt  }
0x46: {  	_ =	shalt  }
0x47: {  	_ =	shalt  }
0x48: {  	_ =	shalt  }
0x49: {  	_ =	shalt  }
0x4a: {  	_ =	shalt  }
0x4b: {  	_ =	shalt  }
0x4c: {  	_ =	shalt  }
0x4d: {  	_ =	shalt  }
0x4e: {  	_ =	shalt  }
0x4f: {  	_ =	shalt  }
0x50: {  	_ =	shalt  }
0x51: {  	_ =	shalt  }
0x52: {  	_ =	shalt  }
0x53: {  	_ =	shalt  }
0x54: {  	_ =	shalt  }
0x55: {  	_ =	shalt  }
0x56: {  	_ =	shalt  }
0x57: {  	_ =	shalt  }
0x58: {  	_ =	shalt  }
0x59: {  	_ =	shalt  }
0x5a: {  	_ =	shalt  }
0x5b: {  	_ =	shalt  }
0x5c: {  	_ =	shalt  }
0x5d: {  	_ =	shalt  }
0x5e: {  	_ =	shalt  }
0x5f: {  	_ =	shalt  }
0x60: {  	_ =	shalt  }
0x61: {  	_ =	shalt  }
0x62: {  	_ =	shalt  }
0x63: {  	_ =	shalt  }
0x64: {  	_ =	shalt  }
0x65: {  	_ =	shalt  }
0x66: {  	_ =	shalt  }
0x67: {  	_ =	shalt  }
0x68: {  	_ =	shalt  }
0x69: {  	_ =	shalt  }
0x6a: {  	_ =	shalt  }
0x6b: {  	_ =	shalt  }
0x6c: {  	_ =	shalt  }
0x6d: {  	_ =	shalt  }
0x6e: {  	_ =	shalt  }
0x6f: {  	_ =	shalt  }
0x70: {  	_ =	shalt  }
0x71: {  	_ =	shalt  }
0x72: {  	_ =	shalt  }
0x73: {  	_ =	shalt  }
0x74: {  	_ =	shalt  }
0x75: {  	_ =	shalt  }
0x76: {  	_ =	shalt  }
0x77: {  	_ =	shalt  }
0x78: {  	_ =	shalt  }
0x79: {  	_ =	shalt  }
0x7a: {  	_ =	shalt  }
0x7b: {  	_ =	shalt  }
0x7c: {  	_ =	shalt  }
0x7d: {  	_ =	shalt  }
0x7e: {  	_ =	shalt  }
0x7f: {  	_ =	shalt  }
0x80: {  	_ =	shalt  }
0x81: {  	_ =	shalt  }
0x82: {  	_ =	shalt  }
0x83: {  	_ =	shalt  }
0x84: {  	_ =	shalt  }
0x85: {  	_ =	shalt  }
0x86: {  	_ =	shalt  }
0x87: {  	_ =	shalt  }
.Lfunc_end0:
.L_simem_size_0:
called_computation_lowered:
.L_overlay_start_0:
0x88: {  	s2 =	sld [smem:$0x3FD9]  }
0x89: {  	s3 =	sld [smem:$0x3FFE];
	_ =	sdelay $0x1  }
0x8a: {  	s1 =	srdreg.scid  }
0x8b: {  	s0 =	sand.u32 $0x1, s1  }
0x8c: {  	s17 =	sshll.u32 s0, $0xA;
	s2 =	sadd.s32 s3, s2  }
0x8d: {  	s2 =	sadd.s32 s2, s17  }
0x8e: {  	[smem:$0x3FC0] =	sst s2  }
0x8f: {  	_ = 	snop  }
0x90: {  	s2 =	sld [smem:$0x3FC9]  }
0x91: {  	s18 =	sld [smem:$0x3FC7]  }
0x92: {  	s4 =	sld [smem:$0x3FC6];
	(tm) =	ssettm $0x1  }
0x93: {  	s5 =	sld [smem:$0x3FFB];
	_ =	sdelay $0x3  }
0x94: {  	_ =	strace s5  }
0x95: {  	s5 =	sld [smem:$0x3FFC];
	_ =	sdelay $0x3  }
0x96: {  	_ =	strace s5  }
0x97: {  	s5 =	sld [smem:$0x3FFD];
	_ =	sdelay $0x3  }
0x98: {  	_ =	strace s5  }
0x99: {  	_ =	strace $0x8FFFFFFF  }
0x9a: {  	s19 =	sld [smem:$0x3FDB];
	_ =	sdelay $0x1  }
0x9b: {  	s6 =	simm.s32 $_scs_section_size  }
0x9c: {  	s7 =	simm.s32 $_size__tile_overlayer_lowered;
	s8 =	simm.s32 $_tile_overlayer_lowered  }
0x9d: {  	s22 =	simm.s32 $0x1BFF;
	s21 =	sshll.u32 s8, $0x1;
	s5 =	sadd.s32 s6, s19  }
0x9e: {  	s9 =	simm.s32 $0x0;
	s20 =	sshll.u32 s7, $0x1;
	s7 =	sadd.s32 s21, s5  }
0x9f: {  	[timem:s9], [sflag:s22] =	dma.local [hbm:s7], s20  }
0xa0: {  	_ =	swait.ge [sflag:s22], s20  }
0xa1: {  	s6 =	ssub.s32 $0x0, s20;
	[sflag:s22] =	ssyncset.done $0x0  }
0xa2: {  	[sflag:s22] =	ssyncadd.s32 s6;
	_ =	sdelay $0x1  }
0xa3: {  	s23 =	simm.s32 $0x1B8B  }
0xa4: {  	_ =	swait.ge [sflag:s23], $0x1  }
0xa5: {  	[sflag:s23] =	ssyncset.done $0x0  }
0xa6: {  	s25 =	simm.s32 $0x1B8E;
	s24 =	sld [smem:$0x3FFE];
	[sflag:s23] =	ssyncadd.s32 $0xFFFFFFFF  }
0xa7: {  	s26 =	simm.s32 $execute0_lowered;
	[smem:$0x3FD2] =	sst s25  }
0xa8: {  	s7 =	sshll.u32 s26, $0x1;
	_ =	strace $0x80000046;
	[dreg:$0x1] =	wrdreg $0xFFFFFFFF  }
0xa9: {  	s28 =	simm.s32 $_size_execute0_lowered;
	s5 =	sadd.s32 s5, s7;
	[dreg:$0x0] =	wrdreg $0x0  }
0xaa: {  	s7 =	sshll.u32 s28, $0x1;
	[dreg:$0x2] =	wrdreg s5  }
0xab: {  	[dreg:$0x3] =	wrdreg s7  }
0xac: {  	[dreg:$0x4] =	wrdreg $0xC0  }
0xad: {  	_ =	task [dreg:s9], $0x5FFFF  }
0xae: {  	[dreg:$0x1] =	wrdreg $0xFFFFFFFF  }
0xaf: {  	[dreg:$0x0] =	wrdreg $0x60  }
0xb0: {  	[dreg:$0x2] =	wrdreg s2  }
0xb1: {  	[dreg:$0x3] =	wrdreg s24  }
0xb2: {  	[dreg:$0x4] =	wrdreg s18  }
0xb3: {  	[dreg:$0x5] =	wrdreg s4  }
0xb4: {  	[dreg:$0x6] =	wrdreg $0x0  }
0xb5: {  	[dreg:$0x7] =	wrdreg $0x9  }
0xb6: {  	_ =	task.clear_ibuf [dreg:s9], $0x8FFFF;
	_ =	strace $0x90000046  }
0xb7: {  	s29 =	simm.s32 $0x9;
	_ =	strace $0x80000048  }
0xb8: {  	_ =	swait.ge [sflag:s29], $0x1  }
0xb9: {  	[sflag:s29] =	ssyncadd.s32 $0xFFFFFFFF  }
0xba: {  	_ =	strace $0x90000048  }
0xbb: {  	_ =	sfence  }
0xbc: {  	s30 =	sld [smem:$0x0];
	_ =	sdelay $0x2  }
0xbd: {  	s31 =	sshll.u32 s1, $0xD;
	s1 =	sshrl.u32 s1, $0x2  }
0xbe: {  	s3 =	sand.u32 $0x4000, s31;
	s1 =	sadd.s32 s1, s30  }
0xbf: {  	s0 =	sor.u32 s3, s0;
	s1 =	sshll.u32 s1, $0x11  }
0xc0: {  	s0 =	sor.u32 s1, s0  }
0xc1: {  	s0 =	sadd.s32 $0x8F2B, s0  }
0xc2: {  	[sflag:s0] =	ssyncadd.remote.s32 $0x1  }
0xc3: {  	_ =	sfence.sel $0xFFFF  }
0xc4: {  	[dreg:$0x0] =	wrdreg $0xFFFFFFFF;
	(pc) =	sbr.abs _section_cstart, $3  }
0xc5: {  	[dreg:$0x1] =	wrdreg $0xFFFFFFFF  }
0xc6: {  	_ =	task.clear_ibuf [dreg:s9], $0x2FFFF;
	_ =	strace $0x9FFFFFFF  }
0xc7: {  	(tm) =	ssettm $0x7FFFFFFF  }
tec
execute0_lowered:
.L_overlay_start_1:
0x0: {  	(tag) =	ssettag $0x1  }
0x1: {  	s1 =	rddreg [dreg:$0x0]  }
0x2: {  	s9 =	rddreg [dreg:$0x1]  }
0x3: {  	s2 =	rddreg [dreg:$0x2]  }
0x4: {  	s3 =	rddreg [dreg:$0x3]  }
0x5: {  	s4 =	rddreg [dreg:$0x4];
	s5 =	srdreg.scid  }
0x6: {  	s6 =	simm.s32 $0x0;
	s14 =	simm.s32 $0x4F;
	s19 =	simm.s32 $0x3  }
0x7: {  	s20 =	simm.s32 $0x14000;
	s21 =	simm.s32 $0x14100;
	s22 =	simm.s32 $0x14080  }
0x8: {  	s23 =	simm.s32 $0x80;
	s24 =	simm.s32 $0x18180;
	s25 =	simm.s32 $0x1  }
0x9: {  	s26 =	simm.s32 $0x2;
	s15 =	sand.u32 $0x1, s5;
	s5 =	stileid.u32  }
0xa: {  	[smem:$0x7FF] =	sst s6;
	s7 =	sadd.s32 $0xBC00, s9;
	s10 =	smul.u32 $0x140000, s15  }
0xb: {  	s8 =	sadd.s32 $0x1E00, s9;
	s11 =	smul.u32 $0x14000, s5;
	_ =	strace $0x80000047  }
0xc: {  	s12 =	smul.u32 $0x50000, s5;
	s31 =	ssub.s32 $0x2, s15;
	p0 =	slt.u32 s5, $0x2  }
0xd: {  	s18 =	sshll.u32 s5, $0x8;
	s15 =	sshll.u32 s15, $0x7;
	s13 =	sshrl.u32 s31, $0x1  }
0xe: {  	s14 =	simm.s32 @!p0 $0x4E;
	s15 =	sor.u32 s15, s18;
	s10 =	sadd.s32 s11, s10  }
0xf: {  	s18 =	simm.s32 $0x14180;
	s12 =	sshrl.u32 s12, $0x2;
	s10 =	sshrl.u32 s10, $0x3  }
0x10: {  	s17 =	ssub.s32 s31, s13;
	s16 =	sadd.s32 s10, s9;
	s9 =	sadd.s32 s12, s4  }
0x11: {  	s17 =	smax.u32 s17, $0x1;
	s10 =	sadd.s32 $0x4000, s9;
	s11 =	sadd.s32 $0x8000, s9  }
0x12: {  	v0 =	vimm.f32 $0.0e+00;
	s12 =	sadd.s32 $0xC000, s9;
	s13 =	sadd.s32 $0x10000, s9;
	s16 =	sadd.s32 $0x15A00, s16  }
.LBB2_1:
0x13: {  	s28 =	simm.s32 $0x0;
	s29 =	simm.s32 $0x200  }
.LBB2_2:
0x14: {  	p0 =	sne.s32 s29, $0xFE00;
	[tilespmem:s28+$0x141F0] =	vst v0  }
0x15: {  	[tilespmem:s28+$0x14180] =	vst v0  }
0x16: {  	[tilespmem:s28+$0x14190] =	vst v0  }
.Ltmp0:
0x17: {  	[tilespmem:s28+$0x141A0] =	vst v0;
	(pc) =	sbr.rel @p0 .LBB2_2-.Ltmp0, $4  }
0x18: {  	[tilespmem:s28+$0x141B0] =	vst v0  }
0x19: {  	[tilespmem:s28+$0x141C0] =	vst v0  }
0x1a: {  	[tilespmem:s28+$0x141D0] =	vst v0  }
0x1b: {  	[tilespmem:s28+$0x141E0] =	vst v0;
	s28 =	sshra.s32 s29, $0x2;
	s29 =	sadd.s32 $0x200, s29  }
0x1c: {  	[tilespmem:s28+$0x141F0] =	vst v0  }
0x1d: {  	[tilespmem:s28+$0x14180] =	vst v0  }
0x1e: {  	[tilespmem:s28+$0x14190] =	vst v0  }
0x1f: {  	[tilespmem:s28+$0x141A0] =	vst v0  }
0x20: {  	[tilespmem:s28+$0x141B0] =	vst v0  }
0x21: {  	[tilespmem:s28+$0x141C0] =	vst v0  }
0x22: {  	[tilespmem:s28+$0x141D0] =	vst v0  }
0x23: {  	[tilespmem:s28+$0x141E0] =	vst v0  }
0x24: {  	[spmem:s9] =	stream.linear.scatter [tilespmem:s18], [sflag:$0x3], $0x4000, $0x38;
	[tilespmem:$0x1C180] =	vst v63  }
0x25: {  	_ =	swait.ge [sflag:s19], $0x4000  }
0x26: {  	[sflag:s19] =	ssyncset.done $0x0  }
0x27: {  	[sflag:s19] =	ssyncadd.s32 $0xFFFFC000  }
0x28: {  	[spmem:s10] =	stream.linear.scatter [tilespmem:s18], [sflag:$0x3], $0x4000, $0x38;
	[tilespmem:$0x1C180] =	vst v63  }
0x29: {  	_ =	swait.ge [sflag:s19], $0x4000  }
0x2a: {  	[sflag:s19] =	ssyncset.done $0x0  }
0x2b: {  	[sflag:s19] =	ssyncadd.s32 $0xFFFFC000  }
0x2c: {  	[spmem:s11] =	stream.linear.scatter [tilespmem:s18], [sflag:$0x3], $0x4000, $0x38;
	[tilespmem:$0x1C180] =	vst v63  }
0x2d: {  	_ =	swait.ge [sflag:s19], $0x4000  }
0x2e: {  	[sflag:s19] =	ssyncset.done $0x0  }
0x2f: {  	[sflag:s19] =	ssyncadd.s32 $0xFFFFC000  }
0x30: {  	[spmem:s12] =	stream.linear.scatter [tilespmem:s18], [sflag:$0x3], $0x4000, $0x38;
	[tilespmem:$0x1C180] =	vst v63  }
0x31: {  	_ =	swait.ge [sflag:s19], $0x4000  }
0x32: {  	[sflag:s19] =	ssyncset.done $0x0  }
0x33: {  	[sflag:s19] =	ssyncadd.s32 $0xFFFFC000  }
0x34: {  	[spmem:s13] =	stream.linear.scatter [tilespmem:s18], [sflag:$0x3], $0x4000, $0x38;
	[tilespmem:$0x1C180] =	vst v63  }
0x35: {  	_ =	swait.ge [sflag:s19], $0x4000  }
0x36: {  	[sflag:s19] =	ssyncset.done $0x0  }
0x37: {  	[sflag:s19] =	ssyncadd.s32 $0xFFFFC000  }
0x38: {  	s28 =	simm.s32 $0x0;
	s29 =	simm.s32 $0x0;
	[bflag:$0x0] =	sbarrier.arrive $0xFFFF  }
.LBB2_4:
0x39: {  	s30 =	sshll.u32 s29, $0xC  }
0x3a: {  	s30 =	sor.u32 s15, s30  }
0x3b: {  	s30 =	sshrl.u32 s30, $0x3  }
0x3c: {  	s31 =	sadd.s32 s8, s30  }
0x3d: {  	[tilespmem:s20], [sflag:$0x3] =	stream.linear.gather [hbm4b:s31+s28], $0x80, $0x38;
	[tilespmem:$0x1C180] =	vst v63  }
0x3e: {  	_ =	swait.ge [sflag:s19], $0x80  }
0x3f: {  	[sflag:s19] =	ssyncset.done $0x0  }
0x40: {  	s31 =	sadd.s32 s2, s30;
	[sflag:s19] =	ssyncadd.s32 $0xFFFFFF80  }
0x41: {  	[tilespmem:s21], [sflag:$0x3] =	stream.linear.gather [hbm4b:s31+s28], $0x80, $0x38;
	[tilespmem:$0x1C180] =	vst v63  }
0x42: {  	_ =	swait.ge [sflag:s19], $0x80  }
0x43: {  	[sflag:s19] =	ssyncset.done $0x0  }
0x44: {  	s30 =	sadd.s32 s7, s30;
	[sflag:s19] =	ssyncadd.s32 $0xFFFFFF80  }
0x45: {  	[tilespmem:s22], [sflag:$0x3] =	stream.linear.gather [hbm4b:s30+s28], $0x80, $0x38;
	[tilespmem:$0x1C180] =	vst v63  }
0x46: {  	_ =	swait.ge [sflag:s19], $0x80  }
0x47: {  	[sflag:s19] =	ssyncset.done $0x0  }
0x48: {  	[sflag:s19] =	ssyncadd.s32 $0xFFFFFF80  }
0x49: {  	[tilespmem:s18], [sflag:$0x1] =	stream.indirect.gather [hbm4b:s1+s23], $0x80, s20, s23, $0xb8;
	[tilespmem:$0x1C180] =	vst v63  }
0x4a: {  	_ = 	snop  }
0x4b: {  	[tilespmem:s24], [sflag:$0x2] =	stream.indirect.gather [hbm4b:s3+s23], $0x80, s21, s23, $0xb8;
	[tilespmem:$0x1C180] =	vst v63  }
0x4c: {  	_ =	swait.ge [sflag:s25], $0x4000  }
0x4d: {  	[sflag:s25] =	ssyncset.done $0x0  }
0x4e: {  	[sflag:s25] =	ssyncadd.s32 $0xFFFFC000  }
0x4f: {  	_ =	swait.ge [sflag:s26], $0x4000  }
0x50: {  	[sflag:s26] =	ssyncset.done $0x0  }
0x51: {  	s30 =	simm.s32 $0x0;
	[sflag:s26] =	ssyncadd.s32 $0xFFFFC000  }
0x52: {  	v8 =	vld [tilespmem:s30+$0x18180]  }
0x53: {  	v12 =	vld [tilespmem:s30+$0x18190]  }
0x54: {  	v6 =	vld [tilespmem:s30+$0x181A0]  }
0x55: {  	v5 =	vld [tilespmem:s30+$0x181B0]  }
0x56: {  	v4 =	vld [tilespmem:s30+$0x181C0]  }
0x57: {  	v3 =	vld [tilespmem:s30+$0x181D0]  }
0x58: {  	v2 =	vld [tilespmem:s30+$0x181E0]  }
0x59: {  	v1 =	vld [tilespmem:s30+$0x181F0]  }
0x5a: {  	v13 =	vld [tilespmem:s30+$0x14180]  }
0x5b: {  	v14 =	vld [tilespmem:s30+$0x14190]  }
0x5c: {  	v11 =	vld [tilespmem:s30+$0x141A0]  }
0x5d: {  	v10 =	vld [tilespmem:s30+$0x141B0]  }
0x5e: {  	v9 =	vld [tilespmem:s30+$0x141C0]  }
0x5f: {  	v7 =	vld [tilespmem:s30+$0x141D0];
	v13 =	vmul.f32 v8, v13  }
0x60: {  	s31 =	simm.s32 $0x200;
	v12 =	vmul.f32 v12, v14;
	v8 =	vld [tilespmem:s30+$0x141E0]  }
.LBB2_5:
0x61: {  	s0 =	sshra.s32 s31, $0x2;
	p0 =	sne.s32 s31, $0xFE00;
	[tilespmem:s30+$0x14180] =	vst v13;
	v6 =	vmul.f32 v6, v11;
	v11 =	vld [tilespmem:s30+$0x141F0]  }
0x62: {  	v13 =	vld [tilespmem:s0+$0x18180];
	[tilespmem:s30+$0x14190] =	vst v12;
	v5 =	vmul.f32 v5, v10  }
0x63: {  	v12 =	vld [tilespmem:s0+$0x18190];
	[tilespmem:s30+$0x141A0] =	vst v6;
	v4 =	vmul.f32 v4, v9  }
0x64: {  	v6 =	vld [tilespmem:s0+$0x181A0];
	[tilespmem:s30+$0x141B0] =	vst v5;
	v3 =	vmul.f32 v3, v7  }
0x65: {  	v5 =	vld [tilespmem:s0+$0x181B0];
	[tilespmem:s30+$0x141C0] =	vst v4;
	v2 =	vmul.f32 v2, v8  }
0x66: {  	v4 =	vld [tilespmem:s0+$0x181C0];
	[tilespmem:s30+$0x141D0] =	vst v3;
	v1 =	vmul.f32 v1, v11  }
0x67: {  	v3 =	vld [tilespmem:s0+$0x181D0];
	[tilespmem:s30+$0x141E0] =	vst v2  }
0x68: {  	v2 =	vld [tilespmem:s0+$0x181E0];
	[tilespmem:s30+$0x141F0] =	vst v1;
	s30 =	smov.u32 s0  }
0x69: {  	v1 =	vld [tilespmem:s30+$0x181F0]  }
0x6a: {  	v7 =	vld [tilespmem:s30+$0x14180]  }
0x6b: {  	v8 =	vld [tilespmem:s30+$0x14190]  }
.Ltmp1:
0x6c: {  	v11 =	vld [tilespmem:s30+$0x141A0];
	(pc) =	sbr.rel @p0 .LBB2_5-.Ltmp1, $4  }
0x6d: {  	v10 =	vld [tilespmem:s30+$0x141B0]  }
0x6e: {  	v9 =	vld [tilespmem:s30+$0x141C0]  }
0x6f: {  	v13 =	vmul.f32 v13, v7;
	v7 =	vld [tilespmem:s30+$0x141D0]  }
0x70: {  	s31 =	sadd.s32 $0x200, s31;
	v12 =	vmul.f32 v12, v8;
	v8 =	vld [tilespmem:s30+$0x141E0]  }
0x71: {  	[tilespmem:s30+$0x14180] =	vst v13;
	v6 =	vmul.f32 v6, v11;
	v63 =	vld [tilespmem:s30+$0x141F0]  }
0x72: {  	[tilespmem:s30+$0x14190] =	vst v12;
	v5 =	vmul.f32 v5, v10  }
0x73: {  	[tilespmem:s30+$0x141A0] =	vst v6;
	v4 =	vmul.f32 v4, v9  }
0x74: {  	[tilespmem:s30+$0x141B0] =	vst v5;
	v3 =	vmul.f32 v3, v7  }
0x75: {  	[tilespmem:s30+$0x141C0] =	vst v4;
	v2 =	vmul.f32 v2, v8  }
0x76: {  	s29 =	sadd.s32 $0x1, s29;
	[tilespmem:s30+$0x141D0] =	vst v3;
	v1 =	vmul.f32 v1, v63  }
0x77: {  	p0 =	sne.s32 s29, s14;
	[tilespmem:s30+$0x141E0] =	vst v2  }
.Ltmp2:
0x78: {  	[tilespmem:s30+$0x141F0] =	vst v1;
	(pc) =	sbr.rel @p0 .LBB2_4-.Ltmp2, $4  }
0x79: {  	[spmem:s4] =	stream.indirect.scatter.add.f32 [tilespmem:s18], [sflag:$0x3], $0x80, s22, s23, $0xb8;
	[tilespmem:$0x1C180] =	vst v63  }
0x7a: {  	_ =	swait.ge [sflag:s19], $0x4000  }
0x7b: {  	[sflag:s19] =	ssyncset.done $0x0  }
0x7c: {  	[sflag:s19] =	ssyncadd.s32 $0xFFFFC000  }
0x7d: {  	s6 =	sadd.s32 $0x1, s6  }
0x7e: {  	s0 =	sshll.u32 s5, $0x6;
	[bflag:$0x0] =	sbarrier.arrive $0xFFFF;
	p0 =	sne.s32 s6, s17  }
.Ltmp3:
0x7f: {  	s28 =	sshrl.u32 s9, $0x3;
	s0 =	sor.u32 $0x1C03, s0;
	(pc) =	sbr.rel @p0 .LBB2_1-.Ltmp3, $4  }
0x80: {  	[hbm:s16], [sflag:s0] =	dma.local [spmem:s28], $0x2800  }
0x81: {  	_ =	swait.ge [sflag:s19], $0x2800  }
0x82: {  	[sflag:s19] =	ssyncset.done $0x0  }
0x83: {  	[sflag:s19] =	ssyncadd.s32 $0xFFFFD800  }
0x84: {  	_ =	sfence.sel $0x180000  }
0x85: {  	[bflag:$0x0] =	sbarrier.arrive $0xFFFF  }
0x86: {  	_ =	strace $0x90000047  }
0x87: {  	[bflag:$0x2] =	sbarrier.arrive $0xFFFF  }
0x88: {  	p0 =	sne.s32 s5, $0x0;
	s0 =	rddreg [dreg:$0x5]  }
0x89: {  	s0 =	sadd.s32 @!p0 $0x100000, s0  }
0x8a: {  	[sflag:s0] =	ssyncadd.tile.s32 @!p0 $0x1;
	_ =	shalt  }
.Lfunc_end2:
_tile_overlayer_lowered:
.L_overlay_start_2:
0x8b: {  	(tag) =	ssettag $0x2  }
0x8c: {  	s0 =	rddreg [dreg:$0x0];
	s2 =	stileid.u32  }
0x8d: {  	s1 =	rddreg [dreg:$0x1];
	p0 =	sne.s32 s2, $0x0  }
0x8e: {  	s3 =	rddreg [dreg:$0x2];
	[bflag:$0x3] =	sbarrier.arrive $0xFFFF;
	s2 =	simm.s32 @!p0 $0x1C03  }
0x8f: {  	[timem:s3], [sflag:s2] =	dma.local @!p0 [hbm:s0], s1  }
0x90: {  	s0 =	simm.s32 @!p0 $0x3  }
0x91: {  	_ =	swait.ge @!p0 [sflag:s0], s1  }
0x92: {  	s1 =	ssub.s32 @!p0 $0x0, s1;
	[sflag:s0] =	ssyncset.done @!p0 $0x0  }
0x93: {  	[sflag:s0] =	ssyncadd.s32 @!p0 s1  }
0x94: {  	[bflag:$0x3] =	sbarrier.arrive $0xFFFF  }
0x95: {  	_ =	shalt  }

// kernel: kernel.9.cloned.1.call-start
scs
__scs_entry_jumppad:
0x0: {  	(pc) =	sbr.rel $0x88, $3  }
0x1: {  	(tag) =	ssettag $0x0;
	lr =	simm.s32 $0x1  }
0x2: {  	[smem:$0x3F99] =	sst lr;
	_ =	strace $0xD0000000  }
0x3: {  	_ = 	snop  }
0x4: {  	_ = 	snop  }
0x5: {  	_ = 	snop  }
0x6: {  	_ = 	snop  }
0x7: {  	_ = 	snop  }
__scs_overlays_trampoline_lowered:
0x8: {  	[smem:$0x3FA8] =	sst s0  }
0x9: {  	[smem:$0x3FA9] =	sst s1  }
0xa: {  	[smem:$0x3FAA] =	sst s2  }
0xb: {  	[smem:$0x3FAB] =	sst s3  }
0xc: {  	[smem:$0x3FAC] =	sst s4  }
0xd: {  	[smem:$0x3FAD] =	sst s5  }
0xe: {  	[smem:$0x3FAE] =	sst s6  }
0xf: {  	[smem:$0x3FAF] =	sst s7  }
0x10: {  	[smem:$0x3FB0] =	sst s8  }
0x11: {  	[smem:$0x3FB1] =	sst s9;
	s0 =	simm.s32 @!p0 $0x0  }
0x12: {  	s1 =	sld [smem:$0x3F97];
	s0 =	simm.s32 @p0 $0x1  }
0x13: {  	[smem:$0x3FB2] =	sst s0;
	s0 =	simm.s32 @!p1 $0x0  }
0x14: {  	s2 =	sld [smem:$0x3F96];
	s0 =	simm.s32 @p1 $0x1  }
0x15: {  	[smem:$0x3FB3] =	sst s0;
	s0 =	simm.s32 @!p2 $0x0  }
0x16: {  	s3 =	sld [smem:$0x3FDB];
	s0 =	simm.s32 @p2 $0x1  }
0x17: {  	s4 =	simm.s32 $0x1BF5;
	[smem:$0x3FB5] =	sst s0  }
0x18: {  	s0 =	sld [smem:$0x3F98];
	_ =	swait.ge [sflag:s4], $0x0  }
0x19: {  	s7 =	sld [smem:$0x3F99]  }
0x1a: {  	s8 =	sadd.s32 $0xFFFFE003, lr  }
0x1b: {  	s9 =	sadd.s32 $0xFFFFFEF7, lr;
	s5 =	simm.s32 $0xFFFFFFFF;
	p2 =	slt.u32 s8, $0xFFFFF086  }
0x1c: {  	p1 =	slt.u32 s9, $0xF7A;
	s5 =	simm.s32 @!p2 $0x0  }
0x1d: {  	s5 =	simm.s32 @p1 $0x1;
	p0 =	seq.s32 s7, s2  }
0x1e: {  	s7 =	smul.u32 @!p0 $0xF7A, s2;
	p2 =	seq.s32 @!p0 s5, $0x0  }
0x1f: {  	s9 =	smul.u32 $0xF7A, s1;
	s8 =	simm.s32 @!p0 $0x1BF5;
	p2 =	por !p2, p0  }
0x20: {  	[sflag:s8] =	ssyncset.s32 @!p0 $0xFFFFF086;
	s6 =	sadd.s32 @!p0 s3, s7;
	s7 =	simm.s32 @!p0 $0x108  }
0x21: {  	s3 =	sadd.s32 s3, s9;
	s6 =	sadd.s32 @!p0 $0x88, s6;
	s7 =	simm.s32 @p2 $0x1082  }
0x22: {  	[simem:s7], [sflag:s8] =	dma.local @!p0 [hbm:s6], $0xF7A  }
0x23: {  	s9 =	sor.u32 $0xD0000000, s2;
	s6 =	simm.s32 $0x108;
	_ =	swait.ge @!p0 [sflag:s8], $0x0  }
0x24: {  	s3 =	sadd.s32 $0x88, s3;
	s6 =	simm.s32 @!p1 $0x1082;
	[sflag:s4] =	ssyncset.s32 $0xFFFFF086  }
0x25: {  	[simem:s6], [sflag:s4] =	dma.local [hbm:s3], $0xF7A  }
0x26: {  	[smem:$0x3F99] =	sst s1;
	(tag) =	ssettag s2;
	_ =	strace s9  }
0x27: {  	s1 =	sld [smem:$0x3FA9]  }
0x28: {  	s2 =	sld [smem:$0x3FAA]  }
0x29: {  	s4 =	sld [smem:$0x3FAC]  }
0x2a: {  	p0 =	seq.s32 s5, $0x0;
	s5 =	sld [smem:$0x3FAD]  }
0x2b: {  	s6 =	sld [smem:$0x3FAE]  }
0x2c: {  	s7 =	sld [smem:$0x3FAF]  }
0x2d: {  	s3 =	simm.s32 $0x108;
	s8 =	sld [smem:$0x3FB0]  }
0x2e: {  	s3 =	simm.s32 @!p0 $0x1082;
	s9 =	sld [smem:$0x3FB1]  }
0x2f: {  	lr =	sadd.s32 s0, s3;
	s0 =	sld [smem:$0x3FA8]  }
0x30: {  	s3 =	sld [smem:$0x3FAB]  }
0x31: {  	[smem:$0x3FB4] =	sst s10  }
0x32: {  	s10 =	sld [smem:$0x3FB2];
	_ =	sdelay $0x3  }
0x33: {  	p0 =	seq.s32 s10, $0x1;
	s10 =	sld [smem:$0x3FB4];
	_ =	sdelay $0x3  }
0x34: {  	[smem:$0x3FB4] =	sst s10  }
0x35: {  	s10 =	sld [smem:$0x3FB3];
	_ =	sdelay $0x3  }
0x36: {  	p1 =	seq.s32 s10, $0x1;
	s10 =	sld [smem:$0x3FB4];
	_ =	sdelay $0x3  }
0x37: {  	[smem:$0x3FB4] =	sst s10  }
0x38: {  	s10 =	sld [smem:$0x3FB5]  }
0x39: {  	_ = 	snop;
	(pc) =	sbr.ind lr, $3  }
0x3a: {  	_ = 	snop  }
0x3b: {  	_ = 	snop  }
0x3c: {  	p2 =	seq.s32 s10, $0x1;
	s10 =	sld [smem:$0x3FB4]  }
0x3d: {  	_ =	shalt  }
0x3e: {  	_ =	shalt  }
0x3f: {  	_ =	shalt  }
0x40: {  	_ =	shalt  }
0x41: {  	_ =	shalt  }
0x42: {  	_ =	shalt  }
0x43: {  	_ =	shalt  }
0x44: {  	_ =	shalt  }
0x45: {  	_ =	shalt  }
0x46: {  	_ =	shalt  }
0x47: {  	_ =	shalt  }
0x48: {  	_ =	shalt  }
0x49: {  	_ =	shalt  }
0x4a: {  	_ =	shalt  }
0x4b: {  	_ =	shalt  }
0x4c: {  	_ =	shalt  }
0x4d: {  	_ =	shalt  }
0x4e: {  	_ =	shalt  }
0x4f: {  	_ =	shalt  }
0x50: {  	_ =	shalt  }
0x51: {  	_ =	shalt  }
0x52: {  	_ =	shalt  }
0x53: {  	_ =	shalt  }
0x54: {  	_ =	shalt  }
0x55: {  	_ =	shalt  }
0x56: {  	_ =	shalt  }
0x57: {  	_ =	shalt  }
0x58: {  	_ =	shalt  }
0x59: {  	_ =	shalt  }
0x5a: {  	_ =	shalt  }
0x5b: {  	_ =	shalt  }
0x5c: {  	_ =	shalt  }
0x5d: {  	_ =	shalt  }
0x5e: {  	_ =	shalt  }
0x5f: {  	_ =	shalt  }
0x60: {  	_ =	shalt  }
0x61: {  	_ =	shalt  }
0x62: {  	_ =	shalt  }
0x63: {  	_ =	shalt  }
0x64: {  	_ =	shalt  }
0x65: {  	_ =	shalt  }
0x66: {  	_ =	shalt  }
0x67: {  	_ =	shalt  }
0x68: {  	_ =	shalt  }
0x69: {  	_ =	shalt  }
0x6a: {  	_ =	shalt  }
0x6b: {  	_ =	shalt  }
0x6c: {  	_ =	shalt  }
0x6d: {  	_ =	shalt  }
0x6e: {  	_ =	shalt  }
0x6f: {  	_ =	shalt  }
0x70: {  	_ =	shalt  }
0x71: {  	_ =	shalt  }
0x72: {  	_ =	shalt  }
0x73: {  	_ =	shalt  }
0x74: {  	_ =	shalt  }
0x75: {  	_ =	shalt  }
0x76: {  	_ =	shalt  }
0x77: {  	_ =	shalt  }
0x78: {  	_ =	shalt  }
0x79: {  	_ =	shalt  }
0x7a: {  	_ =	shalt  }
0x7b: {  	_ =	shalt  }
0x7c: {  	_ =	shalt  }
0x7d: {  	_ =	shalt  }
0x7e: {  	_ =	shalt  }
0x7f: {  	_ =	shalt  }
0x80: {  	_ =	shalt  }
0x81: {  	_ =	shalt  }
0x82: {  	_ =	shalt  }
0x83: {  	_ =	shalt  }
0x84: {  	_ =	shalt  }
0x85: {  	_ =	shalt  }
0x86: {  	_ =	shalt  }
0x87: {  	_ =	shalt  }
.Lfunc_end0:
.L_simem_size_0:
called_computation.1_lowered:
.L_overlay_start_0:
0x88: {  	s2 =	sld [smem:$0x3FD9]  }
0x89: {  	s3 =	sld [smem:$0x3FFE];
	_ =	sdelay $0x1  }
0x8a: {  	s1 =	srdreg.scid  }
0x8b: {  	s0 =	sand.u32 $0x1, s1  }
0x8c: {  	s14 =	sshll.u32 s0, $0xA;
	s2 =	sadd.s32 s3, s2  }
0x8d: {  	s2 =	sadd.s32 s2, s14  }
0x8e: {  	[smem:$0x3FC0] =	sst s2  }
0x8f: {  	_ = 	snop  }
0x90: {  	s2 =	sld [smem:$0x3FD0];
	_ =	sdelay $0x1  }
0x91: {  	s15 =	sld [smem:$0x3FC7]  }
0x92: {  	s5 =	simm.s32 $0xA;
	s6 =	simm.s32 $0x10;
	s4 =	sld [smem:$0x3FC6]  }
0x93: {  	[smem:s6], [sflag:s5] =	dma.local [hbm:s2], $0x1  }
0x94: {  	_ =	swait.eq [sflag:s5], $0x1  }
0x95: {  	[sflag:s5] =	ssyncset.done $0x0  }
0x96: {  	[sflag:s5] =	ssyncadd.s32 $0xFFFFFFFF  }
0x97: {  	s16 =	sld [smem:$0x10];
	(tm) =	ssettm $0x1  }
0x98: {  	s17 =	sld [smem:$0x3FFB];
	_ =	sdelay $0x3  }
0x99: {  	_ =	strace s17  }
0x9a: {  	s5 =	sld [smem:$0x3FFC];
	_ =	sdelay $0x3  }
0x9b: {  	_ =	strace s5  }
0x9c: {  	s5 =	sld [smem:$0x3FFD];
	_ =	sdelay $0x3  }
0x9d: {  	_ =	strace s5  }
0x9e: {  	_ =	strace $0x8FFFFFFF  }
0x9f: {  	s18 =	sld [smem:$0x3FDB];
	_ =	sdelay $0x1  }
0xa0: {  	s19 =	simm.s32 $_scs_section_size  }
0xa1: {  	s7 =	simm.s32 $_size__tile_overlayer_lowered;
	s8 =	simm.s32 $_tile_overlayer_lowered  }
0xa2: {  	s22 =	simm.s32 $0x1BFF;
	s21 =	sshll.u32 s8, $0x1;
	s5 =	sadd.s32 s19, s18  }
0xa3: {  	s9 =	simm.s32 $0x0;
	s20 =	sshll.u32 s7, $0x1;
	s7 =	sadd.s32 s21, s5  }
0xa4: {  	[timem:s9], [sflag:s22] =	dma.local [hbm:s7], s20  }
0xa5: {  	_ =	swait.ge [sflag:s22], s20  }
0xa6: {  	s6 =	ssub.s32 $0x0, s20;
	[sflag:s22] =	ssyncset.done $0x0  }
0xa7: {  	[sflag:s22] =	ssyncadd.s32 s6;
	_ =	sdelay $0x1  }
0xa8: {  	s23 =	simm.s32 $0x1B8B  }
0xa9: {  	_ =	swait.ge [sflag:s23], $0x1  }
0xaa: {  	[sflag:s23] =	ssyncset.done $0x0  }
0xab: {  	s25 =	simm.s32 $0x1B8E;
	s24 =	sld [smem:$0x3FFE];
	[sflag:s23] =	ssyncadd.s32 $0xFFFFFFFF  }
0xac: {  	s26 =	simm.s32 $execute0_lowered;
	[smem:$0x3FD2] =	sst s25  }
0xad: {  	s7 =	sshll.u32 s26, $0x1;
	_ =	strace $0x80000049;
	[dreg:$0x1] =	wrdreg $0xFFFFFFFF  }
0xae: {  	s28 =	simm.s32 $_size_execute0_lowered;
	s5 =	sadd.s32 s5, s7;
	[dreg:$0x0] =	wrdreg $0x0  }
0xaf: {  	s7 =	sshll.u32 s28, $0x1;
	[dreg:$0x2] =	wrdreg s5  }
0xb0: {  	[dreg:$0x3] =	wrdreg s7  }
0xb1: {  	[dreg:$0x4] =	wrdreg $0xC0  }
0xb2: {  	_ =	task [dreg:s9], $0x5FFFF  }
0xb3: {  	[dreg:$0x1] =	wrdreg $0xFFFFFFFF  }
0xb4: {  	[dreg:$0x0] =	wrdreg $0x60  }
0xb5: {  	[dreg:$0x2] =	wrdreg s16  }
0xb6: {  	[dreg:$0x3] =	wrdreg s24  }
0xb7: {  	[dreg:$0x4] =	wrdreg s15  }
0xb8: {  	[dreg:$0x5] =	wrdreg s4  }
0xb9: {  	[dreg:$0x6] =	wrdreg $0x0  }
0xba: {  	[dreg:$0x7] =	wrdreg $0x9  }
0xbb: {  	_ =	task.clear_ibuf [dreg:s9], $0x8FFFF;
	_ =	strace $0x90000049  }
0xbc: {  	s29 =	simm.s32 $0x9;
	_ =	strace $0x8000004B  }
0xbd: {  	_ =	swait.ge [sflag:s29], $0x1  }
0xbe: {  	[sflag:s29] =	ssyncadd.s32 $0xFFFFFFFF  }
0xbf: {  	_ =	strace $0x9000004B  }
0xc0: {  	_ =	sfence  }
0xc1: {  	s30 =	sld [smem:$0x0];
	_ =	sdelay $0x2  }
0xc2: {  	s31 =	sshll.u32 s1, $0xD;
	s1 =	sshrl.u32 s1, $0x2  }
0xc3: {  	s3 =	sand.u32 $0x4000, s31;
	s1 =	sadd.s32 s1, s30  }
0xc4: {  	s0 =	sor.u32 s3, s0;
	s1 =	sshll.u32 s1, $0x11  }
0xc5: {  	s0 =	sor.u32 s1, s0  }
0xc6: {  	s0 =	sadd.s32 $0x8F2B, s0  }
0xc7: {  	[sflag:s0] =	ssyncadd.remote.s32 $0x1  }
0xc8: {  	_ =	sfence.sel $0xFFFF  }
0xc9: {  	[dreg:$0x0] =	wrdreg $0xFFFFFFFF;
	(pc) =	sbr.abs _section_cstart, $3  }
0xca: {  	[dreg:$0x1] =	wrdreg $0xFFFFFFFF  }
0xcb: {  	_ =	task.clear_ibuf [dreg:s9], $0x2FFFF;
	_ =	strace $0x9FFFFFFF  }
0xcc: {  	(tm) =	ssettm $0x7FFFFFFF  }
0xcd: {  	_ =	shalt  }
tec
execute0_lowered:
.L_overlay_start_1:
0x0: {  	(tag) =	ssettag $0x1  }
0x1: {  	s1 =	rddreg [dreg:$0x0]  }
0x2: {  	s9 =	rddreg [dreg:$0x1]  }
0x3: {  	s2 =	rddreg [dreg:$0x2]  }
0x4: {  	s3 =	rddreg [dreg:$0x3]  }
0x5: {  	s4 =	rddreg [dreg:$0x4];
	s5 =	srdreg.scid  }
0x6: {  	s6 =	simm.s32 $0x0;
	s14 =	simm.s32 $0x4F;
	s19 =	simm.s32 $0x3  }
0x7: {  	s20 =	simm.s32 $0x14000;
	s21 =	simm.s32 $0x14100;
	s22 =	simm.s32 $0x14080  }
0x8: {  	s23 =	simm.s32 $0x80;
	s24 =	simm.s32 $0x18180;
	s25 =	simm.s32 $0x1  }
0x9: {  	s26 =	simm.s32 $0x2;
	s15 =	sand.u32 $0x1, s5;
	s5 =	stileid.u32  }
0xa: {  	[smem:$0x7FF] =	sst s6;
	s7 =	sadd.s32 $0xBC00, s9;
	s10 =	smul.u32 $0x140000, s15  }
0xb: {  	s8 =	sadd.s32 $0x1E00, s9;
	s11 =	smul.u32 $0x14000, s5;
	_ =	strace $0x8000004A  }
0xc: {  	s12 =	smul.u32 $0x50000, s5;
	s31 =	ssub.s32 $0x2, s15;
	p0 =	slt.u32 s5, $0x2  }
0xd: {  	s18 =	sshll.u32 s5, $0x8;
	s15 =	sshll.u32 s15, $0x7;
	s13 =	sshrl.u32 s31, $0x1  }
0xe: {  	s14 =	simm.s32 @!p0 $0x4E;
	s15 =	sor.u32 s15, s18;
	s10 =	sadd.s32 s11, s10  }
0xf: {  	s18 =	simm.s32 $0x14180;
	s12 =	sshrl.u32 s12, $0x2;
	s10 =	sshrl.u32 s10, $0x3  }
0x10: {  	s17 =	ssub.s32 s31, s13;
	s16 =	sadd.s32 s10, s9;
	s9 =	sadd.s32 s12, s4  }
0x11: {  	s17 =	smax.u32 s17, $0x1;
	s10 =	sadd.s32 $0x4000, s9;
	s11 =	sadd.s32 $0x8000, s9  }
0x12: {  	v0 =	vimm.f32 $0.0e+00;
	s12 =	sadd.s32 $0xC000, s9;
	s13 =	sadd.s32 $0x10000, s9;
	s16 =	sadd.s32 $0x15A00, s16  }
.LBB2_1:
0x13: {  	s28 =	simm.s32 $0x0;
	s29 =	simm.s32 $0x200  }
.LBB2_2:
0x14: {  	p0 =	sne.s32 s29, $0xFE00;
	[tilespmem:s28+$0x141F0] =	vst v0  }
0x15: {  	[tilespmem:s28+$0x14180] =	vst v0  }
0x16: {  	[tilespmem:s28+$0x14190] =	vst v0  }
.Ltmp0:
0x17: {  	[tilespmem:s28+$0x141A0] =	vst v0;
	(pc) =	sbr.rel @p0 .LBB2_2-.Ltmp0, $4  }
0x18: {  	[tilespmem:s28+$0x141B0] =	vst v0  }
0x19: {  	[tilespmem:s28+$0x141C0] =	vst v0  }
0x1a: {  	[tilespmem:s28+$0x141D0] =	vst v0  }
0x1b: {  	[tilespmem:s28+$0x141E0] =	vst v0;
	s28 =	sshra.s32 s29, $0x2;
	s29 =	sadd.s32 $0x200, s29  }
0x1c: {  	[tilespmem:s28+$0x141F0] =	vst v0  }
0x1d: {  	[tilespmem:s28+$0x14180] =	vst v0  }
0x1e: {  	[tilespmem:s28+$0x14190] =	vst v0  }
0x1f: {  	[tilespmem:s28+$0x141A0] =	vst v0  }
0x20: {  	[tilespmem:s28+$0x141B0] =	vst v0  }
0x21: {  	[tilespmem:s28+$0x141C0] =	vst v0  }
0x22: {  	[tilespmem:s28+$0x141D0] =	vst v0  }
0x23: {  	[tilespmem:s28+$0x141E0] =	vst v0  }
0x24: {  	[spmem:s9] =	stream.linear.scatter [tilespmem:s18], [sflag:$0x3], $0x4000, $0x38;
	[tilespmem:$0x1C180] =	vst v63  }
0x25: {  	_ =	swait.ge [sflag:s19], $0x4000  }
0x26: {  	[sflag:s19] =	ssyncset.done $0x0  }
0x27: {  	[sflag:s19] =	ssyncadd.s32 $0xFFFFC000  }
0x28: {  	[spmem:s10] =	stream.linear.scatter [tilespmem:s18], [sflag:$0x3], $0x4000, $0x38;
	[tilespmem:$0x1C180] =	vst v63  }
0x29: {  	_ =	swait.ge [sflag:s19], $0x4000  }
0x2a: {  	[sflag:s19] =	ssyncset.done $0x0  }
0x2b: {  	[sflag:s19] =	ssyncadd.s32 $0xFFFFC000  }
0x2c: {  	[spmem:s11] =	stream.linear.scatter [tilespmem:s18], [sflag:$0x3], $0x4000, $0x38;
	[tilespmem:$0x1C180] =	vst v63  }
0x2d: {  	_ =	swait.ge [sflag:s19], $0x4000  }
0x2e: {  	[sflag:s19] =	ssyncset.done $0x0  }
0x2f: {  	[sflag:s19] =	ssyncadd.s32 $0xFFFFC000  }
0x30: {  	[spmem:s12] =	stream.linear.scatter [tilespmem:s18], [sflag:$0x3], $0x4000, $0x38;
	[tilespmem:$0x1C180] =	vst v63  }
0x31: {  	_ =	swait.ge [sflag:s19], $0x4000  }
0x32: {  	[sflag:s19] =	ssyncset.done $0x0  }
0x33: {  	[sflag:s19] =	ssyncadd.s32 $0xFFFFC000  }
0x34: {  	[spmem:s13] =	stream.linear.scatter [tilespmem:s18], [sflag:$0x3], $0x4000, $0x38;
	[tilespmem:$0x1C180] =	vst v63  }
0x35: {  	_ =	swait.ge [sflag:s19], $0x4000  }
0x36: {  	[sflag:s19] =	ssyncset.done $0x0  }
0x37: {  	[sflag:s19] =	ssyncadd.s32 $0xFFFFC000  }
0x38: {  	s28 =	simm.s32 $0x0;
	s29 =	simm.s32 $0x0;
	[bflag:$0x0] =	sbarrier.arrive $0xFFFF  }
.LBB2_4:
0x39: {  	s30 =	sshll.u32 s29, $0xC  }
0x3a: {  	s30 =	sor.u32 s15, s30  }
0x3b: {  	s30 =	sshrl.u32 s30, $0x3  }
0x3c: {  	s31 =	sadd.s32 s8, s30  }
0x3d: {  	[tilespmem:s20], [sflag:$0x3] =	stream.linear.gather [hbm4b:s31+s28], $0x80, $0x38;
	[tilespmem:$0x1C180] =	vst v63  }
0x3e: {  	_ =	swait.ge [sflag:s19], $0x80  }
0x3f: {  	[sflag:s19] =	ssyncset.done $0x0  }
0x40: {  	s31 =	sadd.s32 s2, s30;
	[sflag:s19] =	ssyncadd.s32 $0xFFFFFF80  }
0x41: {  	[tilespmem:s21], [sflag:$0x3] =	stream.linear.gather [hbm4b:s31+s28], $0x80, $0x38;
	[tilespmem:$0x1C180] =	vst v63  }
0x42: {  	_ =	swait.ge [sflag:s19], $0x80  }
0x43: {  	[sflag:s19] =	ssyncset.done $0x0  }
0x44: {  	s30 =	sadd.s32 s7, s30;
	[sflag:s19] =	ssyncadd.s32 $0xFFFFFF80  }
0x45: {  	[tilespmem:s22], [sflag:$0x3] =	stream.linear.gather [hbm4b:s30+s28], $0x80, $0x38;
	[tilespmem:$0x1C180] =	vst v63  }
0x46: {  	_ =	swait.ge [sflag:s19], $0x80  }
0x47: {  	[sflag:s19] =	ssyncset.done $0x0  }
0x48: {  	[sflag:s19] =	ssyncadd.s32 $0xFFFFFF80  }
0x49: {  	[tilespmem:s18], [sflag:$0x1] =	stream.indirect.gather [hbm4b:s1+s23], $0x80, s20, s23, $0xb8;
	[tilespmem:$0x1C180] =	vst v63  }
0x4a: {  	_ = 	snop  }
0x4b: {  	[tilespmem:s24], [sflag:$0x2] =	stream.indirect.gather [hbm4b:s3+s23], $0x80, s21, s23, $0xb8;
	[tilespmem:$0x1C180] =	vst v63  }
0x4c: {  	_ =	swait.ge [sflag:s25], $0x4000  }
0x4d: {  	[sflag:s25] =	ssyncset.done $0x0  }
0x4e: {  	[sflag:s25] =	ssyncadd.s32 $0xFFFFC000  }
0x4f: {  	_ =	swait.ge [sflag:s26], $0x4000  }
0x50: {  	[sflag:s26] =	ssyncset.done $0x0  }
0x51: {  	s30 =	simm.s32 $0x0;
	[sflag:s26] =	ssyncadd.s32 $0xFFFFC000  }
0x52: {  	v8 =	vld [tilespmem:s30+$0x18180]  }
0x53: {  	v12 =	vld [tilespmem:s30+$0x18190]  }
0x54: {  	v6 =	vld [tilespmem:s30+$0x181A0]  }
0x55: {  	v5 =	vld [tilespmem:s30+$0x181B0]  }
0x56: {  	v4 =	vld [tilespmem:s30+$0x181C0]  }
0x57: {  	v3 =	vld [tilespmem:s30+$0x181D0]  }
0x58: {  	v2 =	vld [tilespmem:s30+$0x181E0]  }
0x59: {  	v1 =	vld [tilespmem:s30+$0x181F0]  }
0x5a: {  	v13 =	vld [tilespmem:s30+$0x14180]  }
0x5b: {  	v14 =	vld [tilespmem:s30+$0x14190]  }
0x5c: {  	v11 =	vld [tilespmem:s30+$0x141A0]  }
0x5d: {  	v10 =	vld [tilespmem:s30+$0x141B0]  }
0x5e: {  	v9 =	vld [tilespmem:s30+$0x141C0]  }
0x5f: {  	v7 =	vld [tilespmem:s30+$0x141D0];
	v13 =	vmul.f32 v8, v13  }
0x60: {  	s31 =	simm.s32 $0x200;
	v12 =	vmul.f32 v12, v14;
	v8 =	vld [tilespmem:s30+$0x141E0]  }
.LBB2_5:
0x61: {  	s0 =	sshra.s32 s31, $0x2;
	p0 =	sne.s32 s31, $0xFE00;
	[tilespmem:s30+$0x14180] =	vst v13;
	v6 =	vmul.f32 v6, v11;
	v11 =	vld [tilespmem:s30+$0x141F0]  }
0x62: {  	v13 =	vld [tilespmem:s0+$0x18180];
	[tilespmem:s30+$0x14190] =	vst v12;
	v5 =	vmul.f32 v5, v10  }
0x63: {  	v12 =	vld [tilespmem:s0+$0x18190];
	[tilespmem:s30+$0x141A0] =	vst v6;
	v4 =	vmul.f32 v4, v9  }
0x64: {  	v6 =	vld [tilespmem:s0+$0x181A0];
	[tilespmem:s30+$0x141B0] =	vst v5;
	v3 =	vmul.f32 v3, v7  }
0x65: {  	v5 =	vld [tilespmem:s0+$0x181B0];
	[tilespmem:s30+$0x141C0] =	vst v4;
	v2 =	vmul.f32 v2, v8  }
0x66: {  	v4 =	vld [tilespmem:s0+$0x181C0];
	[tilespmem:s30+$0x141D0] =	vst v3;
	v1 =	vmul.f32 v1, v11  }
0x67: {  	v3 =	vld [tilespmem:s0+$0x181D0];
	[tilespmem:s30+$0x141E0] =	vst v2  }
0x68: {  	v2 =	vld [tilespmem:s0+$0x181E0];
	[tilespmem:s30+$0x141F0] =	vst v1;
	s30 =	smov.u32 s0  }
0x69: {  	v1 =	vld [tilespmem:s30+$0x181F0]  }
0x6a: {  	v7 =	vld [tilespmem:s30+$0x14180]  }
0x6b: {  	v8 =	vld [tilespmem:s30+$0x14190]  }
.Ltmp1:
0x6c: {  	v11 =	vld [tilespmem:s30+$0x141A0];
	(pc) =	sbr.rel @p0 .LBB2_5-.Ltmp1, $4  }
0x6d: {  	v10 =	vld [tilespmem:s30+$0x141B0]  }
0x6e: {  	v9 =	vld [tilespmem:s30+$0x141C0]  }
0x6f: {  	v13 =	vmul.f32 v13, v7;
	v7 =	vld [tilespmem:s30+$0x141D0]  }
0x70: {  	s31 =	sadd.s32 $0x200, s31;
	v12 =	vmul.f32 v12, v8;
	v8 =	vld [tilespmem:s30+$0x141E0]  }
0x71: {  	[tilespmem:s30+$0x14180] =	vst v13;
	v6 =	vmul.f32 v6, v11;
	v63 =	vld [tilespmem:s30+$0x141F0]  }
0x72: {  	[tilespmem:s30+$0x14190] =	vst v12;
	v5 =	vmul.f32 v5, v10  }
0x73: {  	[tilespmem:s30+$0x141A0] =	vst v6;
	v4 =	vmul.f32 v4, v9  }
0x74: {  	[tilespmem:s30+$0x141B0] =	vst v5;
	v3 =	vmul.f32 v3, v7  }
0x75: {  	[tilespmem:s30+$0x141C0] =	vst v4;
	v2 =	vmul.f32 v2, v8  }
0x76: {  	s29 =	sadd.s32 $0x1, s29;
	[tilespmem:s30+$0x141D0] =	vst v3;
	v1 =	vmul.f32 v1, v63  }
0x77: {  	p0 =	sne.s32 s29, s14;
	[tilespmem:s30+$0x141E0] =	vst v2  }
.Ltmp2:
0x78: {  	[tilespmem:s30+$0x141F0] =	vst v1;
	(pc) =	sbr.rel @p0 .LBB2_4-.Ltmp2, $4  }
0x79: {  	[spmem:s4] =	stream.indirect.scatter.add.f32 [tilespmem:s18], [sflag:$0x3], $0x80, s22, s23, $0xb8;
	[tilespmem:$0x1C180] =	vst v63  }
0x7a: {  	_ =	swait.ge [sflag:s19], $0x4000  }
0x7b: {  	[sflag:s19] =	ssyncset.done $0x0  }
0x7c: {  	[sflag:s19] =	ssyncadd.s32 $0xFFFFC000  }
0x7d: {  	s6 =	sadd.s32 $0x1, s6  }
0x7e: {  	s0 =	sshll.u32 s5, $0x6;
	[bflag:$0x0] =	sbarrier.arrive $0xFFFF;
	p0 =	sne.s32 s6, s17  }
.Ltmp3:
0x7f: {  	s28 =	sshrl.u32 s9, $0x3;
	s0 =	sor.u32 $0x1C03, s0;
	(pc) =	sbr.rel @p0 .LBB2_1-.Ltmp3, $4  }
0x80: {  	[hbm:s16], [sflag:s0] =	dma.local [spmem:s28], $0x2800  }
0x81: {  	_ =	swait.ge [sflag:s19], $0x2800  }
0x82: {  	[sflag:s19] =	ssyncset.done $0x0  }
0x83: {  	[sflag:s19] =	ssyncadd.s32 $0xFFFFD800  }
0x84: {  	_ =	sfence.sel $0x180000  }
0x85: {  	[bflag:$0x0] =	sbarrier.arrive $0xFFFF  }
0x86: {  	_ =	strace $0x9000004A  }
0x87: {  	[bflag:$0x2] =	sbarrier.arrive $0xFFFF  }
0x88: {  	p0 =	sne.s32 s5, $0x0;
	s0 =	rddreg [dreg:$0x5]  }
0x89: {  	s0 =	sadd.s32 @!p0 $0x100000, s0  }
0x8a: {  	[sflag:s0] =	ssyncadd.tile.s32 @!p0 $0x1;
	_ =	shalt  }
.Lfunc_end2:
_tile_overlayer_lowered:
.L_overlay_start_2:
0x8b: {  	(tag) =	ssettag $0x2  }
0x8c: {  	s0 =	rddreg [dreg:$0x0];
	s2 =	stileid.u32  }
0x8d: {  	s1 =	rddreg [dreg:$0x1];
	p0 =	sne.s32 s2, $0x0  }
0x8e: {  	s3 =	rddreg [dreg:$0x2];
	[bflag:$0x3] =	sbarrier.arrive $0xFFFF;
	s2 =	simm.s32 @!p0 $0x1C03  }
0x8f: {  	[timem:s3], [sflag:s2] =	dma.local @!p0 [hbm:s0], s1  }
0x90: {  	s0 =	simm.s32 @!p0 $0x3  }
0x91: {  	_ =	swait.ge @!p0 [sflag:s0], s1  }
0x92: {  	s1 =	ssub.s32 @!p0 $0x0, s1;
	[sflag:s0] =	ssyncset.done @!p0 $0x0  }
0x93: {  	[sflag:s0] =	ssyncadd.s32 @!p0 s1  }
0x94: {  	[bflag:$0x3] =	sbarrier.arrive $0xFFFF  }
0x95: {  	_ =	shalt  }

</sc_bundles>
